<compile_context>
chip_gen: v7x
topology: tpu7x:2x2x1
jax: 0.10.2.dev20260603
libtpu: 0.0.44.dev20260713+nightly
codegen_flags: <defaults>
</compile_context>

<pallas_src>
import functools

import jax
import jax.numpy as jnp
from jax.experimental import pallas as pl
from jax.experimental.pallas import tpu as pltpu

_BLOCK_ROWS = 1024


def _proj_body(y_ref, w_ref, b_ref, o_ref):
    z = jnp.dot(y_ref[...], w_ref[...], preferred_element_type=jnp.float32)
    o_ref[...] = jax.nn.sigmoid(z + b_ref[...])


def _project(y, lin_w, lin_b):
    n, f = y.shape
    npad = (-n) % _BLOCK_ROWS
    ypad = jnp.pad(y, ((0, npad), (0, 0)))
    grid = (ypad.shape[0] // _BLOCK_ROWS,)
    out = pl.pallas_call(
        _proj_body,
        grid=grid,
        in_specs=[
            pl.BlockSpec((_BLOCK_ROWS, f), lambda i: (i, 0)),
            pl.BlockSpec((f, f), lambda i: (0, 0)),
            pl.BlockSpec((1, f), lambda i: (0, 0)),
        ],
        out_specs=pl.BlockSpec((_BLOCK_ROWS, f), lambda i: (i, 0)),
        out_shape=jax.ShapeDtypeStruct((ypad.shape[0], f), jnp.float32),
    )(ypad, lin_w.T, lin_b[None, :])
    return out[:n]


def kernel(H_rows, H_cols, H_vals, feats, W_, lin_w, lin_b):
    N, _ = feats.shape
    E = W_.shape[0]
    w = W_[:, 0]
    d_v = jax.ops.segment_sum(H_vals * w[H_cols], H_rows, num_segments=N) ** -0.5
    d_e = jax.ops.segment_sum(H_vals, H_cols, num_segments=E) ** -1.0
    X = feats * d_v[:, None]
    M = jax.ops.segment_sum(H_vals[:, None] * X[H_rows], H_cols, num_segments=E)
    M = M * (w * d_e)[:, None]
    Y = jax.ops.segment_sum(H_vals[:, None] * M[H_cols], H_rows, num_segments=N)
    Y = Y * d_v[:, None]
    return _project(Y, lin_w, lin_b)

# --- scband reference (transcript-rebuilt; emitter-appended) ---
"""Pipeline reference for scband-hyper-gcn-3453153706035 (READ-ONLY COPY).

The authoritative reference and input builder live on the scoring server;
editing this copy changes nothing except your own understanding.
"""

import jax, jax.numpy as jnp
import numpy as np

N = 50000
E = 527318  # hardcoded in the module: 362337 + 164981
NNZ = 2 * E
IN_FEATS = 128
OUT_FEATS = 128


def setup_inputs(seed: int = 0) -> dict:
    key = jax.random.key(seed)
    k1, k2, k3, k4 = jax.random.split(key, 4)
    H_rows = jax.random.randint(k1, (NNZ,), 0, N)
    # guarantee every hyperedge has at least one incident node so D_e = deg^-1 stays finite
    H_cols = jnp.concatenate([jnp.arange(E), jax.random.randint(k2, (NNZ - E,), 0, E)])
    H_vals = jnp.ones((NNZ,), dtype=jnp.float32)
    feats = jax.random.normal(k3, (N, IN_FEATS), dtype=jnp.float32)
    W_ = jnp.ones((E, 1), dtype=jnp.float32)  # module buffer: torch.ones(num_edges, 1)
    lin_w = jax.random.normal(k4, (OUT_FEATS, IN_FEATS), dtype=jnp.float32) * 0.05
    lin_b = jnp.zeros((OUT_FEATS,), dtype=jnp.float32)
    return {"H_rows": H_rows, "H_cols": H_cols, "H_vals": H_vals, "feats": feats,
            "W_": W_, "lin_w": lin_w, "lin_b": lin_b}


def reference(H_rows, H_cols, H_vals, feats, W_, lin_w, lin_b):
    # H is the sparse [N, E] incidence matrix given in COO form (H_rows, H_cols, H_vals).
    w = W_[:, 0]
    # D_v = (H @ W_)^-0.5  (per-node weighted degree)
    d_v = jax.ops.segment_sum(H_vals * w[H_cols], H_rows, num_segments=N) ** -0.5
    # D_e = (sum_nodes H)^-1  (per-hyperedge degree inverse)
    d_e = jax.ops.segment_sum(H_vals, H_cols, num_segments=E) ** -1.0
    # A @ feats = D_v^{-1/2} H W D_e^{-1} H^T D_v^{-1/2} feats, applied factor-by-factor
    X = feats * d_v[:, None]
    # H^T @ X : per-edge aggregation of incident node features
    M = jax.ops.segment_sum(H_vals[:, None] * X[H_rows], H_cols, num_segments=E)
    M = M * (w * d_e)[:, None]
    # H @ M : per-node aggregation of incident hyperedge messages
    Y = jax.ops.segment_sum(H_vals[:, None] * M[H_cols], H_rows, num_segments=N)
    Y = Y * d_v[:, None]
    return jax.nn.sigmoid(Y @ lin_w.T + lin_b)

if __name__ == "__main__":
    import jax
    _d = setup_inputs()
    print(jax.jit(kernel)(*tuple(_d.values())))

</pallas_src>

<mosaic_0001>
module attributes {stable_mosaic.version = 14 : i64} {
  func.func @_proj_body(%arg0: i32, %arg1: memref<1024x128xf32, #tpu.memory_space<vmem>>, %arg2: memref<128x128xf32, #tpu.memory_space<vmem>>, %arg3: memref<1x128xf32, #tpu.memory_space<vmem>>, %arg4: memref<1024x128xf32, #tpu.memory_space<vmem>>) attributes {dimension_semantics = [#tpu.dimension_semantics<arbitrary>], iteration_bounds = array<i64: 49>, scalar_prefetch = 0 : i64, scratch_operands = 0 : i64, tpu.core_type = #tpu.core_type<tc>, window_params = [{transform_indices = @transform_0, window_bounds = array<i64: 1024, 128>}, {pipeline_mode = #tpu.pipeline_mode<synchronous>, transform_indices = @transform_1, window_bounds = array<i64: 128, 128>}, {pipeline_mode = #tpu.pipeline_mode<synchronous>, transform_indices = @transform_2, window_bounds = array<i64: 1, 128>}, {transform_indices = @transform_3, window_bounds = array<i64: 1024, 128>}]} {
    %get3A = arith.constant 0 : index
    %get3A_0 = arith.constant 0 : index
    %get3A_1 = vector.load %arg1[%get3A, %get3A_0] : memref<1024x128xf32, #tpu.memory_space<vmem>>, vector<1024x128xf32>
    %get3A_2 = arith.constant 0 : index
    %get3A_3 = arith.constant 0 : index
    %get3A_4 = vector.load %arg2[%get3A_2, %get3A_3] : memref<128x128xf32, #tpu.memory_space<vmem>>, vector<128x128xf32>
    %dot_general3A = arith.constant dense<0.000000e+00> : vector<1024x128xf32>
    %dot_general3A_5 = tpu.matmul %get3A_1, %get3A_4, %dot_general3A {dimension_numbers = #tpu.dot_dimension_numbers<[1], [0], [0], [1], [0, 0, 1, 1], [], []>, transpose_lhs_hint = false} : vector<1024x128xf32>, vector<128x128xf32>, vector<1024x128xf32> -> vector<1024x128xf32>
    %get3A_6 = arith.constant 0 : index
    %get3A_7 = arith.constant 0 : index
    %get3A_8 = vector.load %arg3[%get3A_6, %get3A_7] : memref<1x128xf32, #tpu.memory_space<vmem>>, vector<1x128xf32>
    %add3A = vector.broadcast %get3A_8 : vector<1x128xf32> to vector<1024x128xf32>
    %add3A_9 = arith.addf %dot_general3A_5, %add3A : vector<1024x128xf32>
    %logistic3A = arith.negf %add3A_9 : vector<1024x128xf32>
    %logistic3A_10 = math.exp %logistic3A : vector<1024x128xf32>
    %logistic3A_11 = arith.constant 1.000000e+00 : f32
    %logistic3A_12 = vector.broadcast %logistic3A_11 : f32 to vector<1024x128xf32>
    %logistic3A_13 = arith.addf %logistic3A_12, %logistic3A_10 : vector<1024x128xf32>
    %logistic3A_14 = arith.divf %logistic3A_12, %logistic3A_13 : vector<1024x128xf32>
    %swap3A = arith.constant 0 : index
    %swap3A_15 = arith.constant 0 : index
    %swap3A_16 = vector.load %arg4[%swap3A, %swap3A_15] : memref<1024x128xf32, #tpu.memory_space<vmem>>, vector<1024x128xf32>
    tpu.vector_store %arg4[%swap3A, %swap3A_15], %logistic3A_14 {strides = array<i32>} : memref<1024x128xf32, #tpu.memory_space<vmem>>, vector<1024x128xf32>,
    return
  }
  func.func @transform_0(%arg0: i32) -> (i32, i32) {
    %c0_i32 = arith.constant 0 : i32
    %c0_i32_0 = arith.constant 0 : i32
    return %arg0, %c0_i32 : i32, i32
  }
  func.func @transform_1(%arg0: i32) -> (i32, i32) {
    %c0_i32 = arith.constant 0 : i32
    %c0_i32_0 = arith.constant 0 : i32
    %c0_i32_1 = arith.constant 0 : i32
    return %c0_i32, %c0_i32_0 : i32, i32
  }
  func.func @transform_2(%arg0: i32) -> (i32, i32) {
    %c0_i32 = arith.constant 0 : i32
    %c0_i32_0 = arith.constant 0 : i32
    %c0_i32_1 = arith.constant 0 : i32
    return %c0_i32, %c0_i32_0 : i32, i32
  }
  func.func @transform_3(%arg0: i32) -> (i32, i32) {
    %c0_i32 = arith.constant 0 : i32
    %c0_i32_0 = arith.constant 0 : i32
    return %arg0, %c0_i32 : i32, i32
  }
}

</mosaic_0001>

<sc_bundles>
// kernel: scatter_offload_async_start.1
scs
__scs_entry_jumppad:
0x0: {  	(pc) =	sbr.rel $0x88, $3  }
0x1: {  	(tag) =	ssettag $0x0;
	lr =	simm.s32 $0x1  }
0x2: {  	[smem:$0x3F9A] =	sst lr;
	_ =	strace $0xD0000000  }
0x3: {  	_ = 	snop  }
0x4: {  	_ = 	snop  }
0x5: {  	_ = 	snop  }
0x6: {  	_ = 	snop  }
0x7: {  	_ = 	snop  }
__scs_overlays_trampoline_lowered:
0x8: {  	[smem:$0x3FA9] =	sst s0  }
0x9: {  	[smem:$0x3FAA] =	sst s1  }
0xa: {  	[smem:$0x3FAB] =	sst s2  }
0xb: {  	[smem:$0x3FAC] =	sst s3  }
0xc: {  	[smem:$0x3FAD] =	sst s4  }
0xd: {  	[smem:$0x3FAE] =	sst s5  }
0xe: {  	[smem:$0x3FAF] =	sst s6  }
0xf: {  	[smem:$0x3FB0] =	sst s7  }
0x10: {  	[smem:$0x3FB1] =	sst s8  }
0x11: {  	[smem:$0x3FB2] =	sst s9;
	s0 =	simm.s32 @!p0 $0x0  }
0x12: {  	s1 =	sld [smem:$0x3F98];
	s0 =	simm.s32 @p0 $0x1  }
0x13: {  	[smem:$0x3FB3] =	sst s0;
	s0 =	simm.s32 @!p1 $0x0  }
0x14: {  	s2 =	sld [smem:$0x3F97];
	s0 =	simm.s32 @p1 $0x1  }
0x15: {  	[smem:$0x3FB4] =	sst s0;
	s0 =	simm.s32 @!p2 $0x0  }
0x16: {  	s3 =	sld [smem:$0x3FDB];
	s0 =	simm.s32 @p2 $0x1  }
0x17: {  	s4 =	simm.s32 $0x1BF5;
	[smem:$0x3FB6] =	sst s0  }
0x18: {  	s0 =	sld [smem:$0x3F99];
	_ =	swait.ge [sflag:s4], $0x0  }
0x19: {  	s7 =	sld [smem:$0x3F9A]  }
0x1a: {  	s8 =	sadd.s32 $0xFFFFE003, lr  }
0x1b: {  	s9 =	sadd.s32 $0xFFFFFEF7, lr;
	s5 =	simm.s32 $0xFFFFFFFF;
	p2 =	slt.u32 s8, $0xFFFFF086  }
0x1c: {  	p1 =	slt.u32 s9, $0xF7A;
	s5 =	simm.s32 @!p2 $0x0  }
0x1d: {  	s5 =	simm.s32 @p1 $0x1;
	p0 =	seq.s32 s7, s2  }
0x1e: {  	s7 =	smul.u32 @!p0 $0xF7A, s2;
	p2 =	seq.s32 @!p0 s5, $0x0  }
0x1f: {  	s9 =	smul.u32 $0xF7A, s1;
	s8 =	simm.s32 @!p0 $0x1BF5;
	p2 =	por !p2, p0  }
0x20: {  	[sflag:s8] =	ssyncset.s32 @!p0 $0xFFFFF086;
	s6 =	sadd.s32 @!p0 s3, s7;
	s7 =	simm.s32 @!p0 $0x108  }
0x21: {  	s3 =	sadd.s32 s3, s9;
	s6 =	sadd.s32 @!p0 $0x88, s6;
	s7 =	simm.s32 @p2 $0x1082  }
0x22: {  	[simem:s7], [sflag:s8] =	dma.local @!p0 [hbm:s6], $0xF7A  }
0x23: {  	s9 =	sor.u32 $0xD0000000, s2;
	s6 =	simm.s32 $0x108;
	_ =	swait.ge @!p0 [sflag:s8], $0x0  }
0x24: {  	s3 =	sadd.s32 $0x88, s3;
	s6 =	simm.s32 @!p1 $0x1082;
	[sflag:s4] =	ssyncset.s32 $0xFFFFF086  }
0x25: {  	[simem:s6], [sflag:s4] =	dma.local [hbm:s3], $0xF7A  }
0x26: {  	[smem:$0x3F9A] =	sst s1;
	(tag) =	ssettag s2;
	_ =	strace s9  }
0x27: {  	s1 =	sld [smem:$0x3FAA]  }
0x28: {  	s2 =	sld [smem:$0x3FAB]  }
0x29: {  	s4 =	sld [smem:$0x3FAD]  }
0x2a: {  	p0 =	seq.s32 s5, $0x0;
	s5 =	sld [smem:$0x3FAE]  }
0x2b: {  	s6 =	sld [smem:$0x3FAF]  }
0x2c: {  	s7 =	sld [smem:$0x3FB0]  }
0x2d: {  	s3 =	simm.s32 $0x108;
	s8 =	sld [smem:$0x3FB1]  }
0x2e: {  	s3 =	simm.s32 @!p0 $0x1082;
	s9 =	sld [smem:$0x3FB2]  }
0x2f: {  	lr =	sadd.s32 s0, s3;
	s0 =	sld [smem:$0x3FA9]  }
0x30: {  	s3 =	sld [smem:$0x3FAC]  }
0x31: {  	[smem:$0x3FB5] =	sst s10  }
0x32: {  	s10 =	sld [smem:$0x3FB3];
	_ =	sdelay $0x3  }
0x33: {  	p0 =	seq.s32 s10, $0x1;
	s10 =	sld [smem:$0x3FB5];
	_ =	sdelay $0x3  }
0x34: {  	[smem:$0x3FB5] =	sst s10  }
0x35: {  	s10 =	sld [smem:$0x3FB4];
	_ =	sdelay $0x3  }
0x36: {  	p1 =	seq.s32 s10, $0x1;
	s10 =	sld [smem:$0x3FB5];
	_ =	sdelay $0x3  }
0x37: {  	[smem:$0x3FB5] =	sst s10  }
0x38: {  	s10 =	sld [smem:$0x3FB6]  }
0x39: {  	_ = 	snop;
	(pc) =	sbr.ind lr, $3  }
0x3a: {  	_ = 	snop  }
0x3b: {  	_ = 	snop  }
0x3c: {  	p2 =	seq.s32 s10, $0x1;
	s10 =	sld [smem:$0x3FB5]  }
0x3d: {  	_ =	shalt  }
0x3e: {  	_ =	shalt  }
0x3f: {  	_ =	shalt  }
0x40: {  	_ =	shalt  }
0x41: {  	_ =	shalt  }
0x42: {  	_ =	shalt  }
0x43: {  	_ =	shalt  }
0x44: {  	_ =	shalt  }
0x45: {  	_ =	shalt  }
0x46: {  	_ =	shalt  }
0x47: {  	_ =	shalt  }
0x48: {  	_ =	shalt  }
0x49: {  	_ =	shalt  }
0x4a: {  	_ =	shalt  }
0x4b: {  	_ =	shalt  }
0x4c: {  	_ =	shalt  }
0x4d: {  	_ =	shalt  }
0x4e: {  	_ =	shalt  }
0x4f: {  	_ =	shalt  }
0x50: {  	_ =	shalt  }
0x51: {  	_ =	shalt  }
0x52: {  	_ =	shalt  }
0x53: {  	_ =	shalt  }
0x54: {  	_ =	shalt  }
0x55: {  	_ =	shalt  }
0x56: {  	_ =	shalt  }
0x57: {  	_ =	shalt  }
0x58: {  	_ =	shalt  }
0x59: {  	_ =	shalt  }
0x5a: {  	_ =	shalt  }
0x5b: {  	_ =	shalt  }
0x5c: {  	_ =	shalt  }
0x5d: {  	_ =	shalt  }
0x5e: {  	_ =	shalt  }
0x5f: {  	_ =	shalt  }
0x60: {  	_ =	shalt  }
0x61: {  	_ =	shalt  }
0x62: {  	_ =	shalt  }
0x63: {  	_ =	shalt  }
0x64: {  	_ =	shalt  }
0x65: {  	_ =	shalt  }
0x66: {  	_ =	shalt  }
0x67: {  	_ =	shalt  }
0x68: {  	_ =	shalt  }
0x69: {  	_ =	shalt  }
0x6a: {  	_ =	shalt  }
0x6b: {  	_ =	shalt  }
0x6c: {  	_ =	shalt  }
0x6d: {  	_ =	shalt  }
0x6e: {  	_ =	shalt  }
0x6f: {  	_ =	shalt  }
0x70: {  	_ =	shalt  }
0x71: {  	_ =	shalt  }
0x72: {  	_ =	shalt  }
0x73: {  	_ =	shalt  }
0x74: {  	_ =	shalt  }
0x75: {  	_ =	shalt  }
0x76: {  	_ =	shalt  }
0x77: {  	_ =	shalt  }
0x78: {  	_ =	shalt  }
0x79: {  	_ =	shalt  }
0x7a: {  	_ =	shalt  }
0x7b: {  	_ =	shalt  }
0x7c: {  	_ =	shalt  }
0x7d: {  	_ =	shalt  }
0x7e: {  	_ =	shalt  }
0x7f: {  	_ =	shalt  }
0x80: {  	_ =	shalt  }
0x81: {  	_ =	shalt  }
0x82: {  	_ =	shalt  }
0x83: {  	_ =	shalt  }
0x84: {  	_ =	shalt  }
0x85: {  	_ =	shalt  }
0x86: {  	_ =	shalt  }
0x87: {  	_ =	shalt  }
.Lfunc_end0:
.L_simem_size_0:
called_computation.1_lowered:
.L_overlay_start_0:
0x88: {  	s0 =	sld [smem:$0x3FD9]  }
0x89: {  	s1 =	sld [smem:$0x3FFE];
	_ =	sdelay $0x3  }
0x8a: {  	s0 =	sadd.s32 s1, s0  }
0x8b: {  	[smem:$0x3FC1] =	sst s0  }
0x8c: {  	_ = 	snop  }
0x8d: {  	s0 =	sld [smem:$0x3FD0];
	(tm) =	ssettm $0x1  }
0x8e: {  	s16 =	sld [smem:$0x3FFB];
	_ =	sdelay $0x3  }
0x8f: {  	_ =	strace s16  }
0x90: {  	s1 =	sld [smem:$0x3FFC];
	_ =	sdelay $0x3  }
0x91: {  	_ =	strace s1  }
0x92: {  	s1 =	sld [smem:$0x3FFD];
	_ =	sdelay $0x3  }
0x93: {  	_ =	strace s1  }
0x94: {  	_ =	strace $0x8FFFFFFF  }
0x95: {  	s17 =	sld [smem:$0x3FDB];
	_ =	sdelay $0x1  }
0x96: {  	s2 =	simm.s32 $_scs_section_size  }
0x97: {  	s3 =	simm.s32 $_size__tile_overlayer_lowered;
	s4 =	simm.s32 $_tile_overlayer_lowered  }
0x98: {  	s20 =	simm.s32 $0x1BFF;
	s19 =	sshll.u32 s4, $0x1;
	s1 =	sadd.s32 s2, s17  }
0x99: {  	s5 =	simm.s32 $0x0;
	s18 =	sshll.u32 s3, $0x1;
	s3 =	sadd.s32 s19, s1  }
0x9a: {  	[timem:s5], [sflag:s20] =	dma.local [hbm:s3], s18  }
0x9b: {  	_ =	swait.ge [sflag:s20], s18  }
0x9c: {  	s2 =	ssub.s32 $0x0, s18;
	[sflag:s20] =	ssyncset.done $0x0  }
0x9d: {  	[sflag:s20] =	ssyncadd.s32 s2;
	_ =	sdelay $0x1  }
0x9e: {  	s21 =	simm.s32 $0x1B8B  }
0x9f: {  	_ =	swait.ge [sflag:s21], $0x1  }
0xa0: {  	[sflag:s21] =	ssyncset.done $0x0  }
0xa1: {  	s23 =	simm.s32 $0x1B8E;
	s22 =	sld [smem:$0x3FFE];
	[sflag:s21] =	ssyncadd.s32 $0xFFFFFFFF  }
0xa2: {  	s24 =	simm.s32 $execute0_lowered;
	[smem:$0x3FD2] =	sst s23  }
0xa3: {  	s3 =	sshll.u32 s24, $0x1;
	_ =	strace $0x80000049;
	[dreg:$0x1] =	wrdreg $0xFFFFFFFF  }
0xa4: {  	s25 =	simm.s32 $_size_execute0_lowered;
	s1 =	sadd.s32 s1, s3;
	[dreg:$0x0] =	wrdreg $0x0  }
0xa5: {  	s3 =	sshll.u32 s25, $0x1;
	[dreg:$0x2] =	wrdreg s1  }
0xa6: {  	[dreg:$0x3] =	wrdreg s3  }
0xa7: {  	[dreg:$0x4] =	wrdreg $0xC0  }
0xa8: {  	_ =	task [dreg:s5], $0x5FFFF  }
0xa9: {  	[dreg:$0x1] =	wrdreg $0xFFFFFFFF  }
0xaa: {  	[dreg:$0x0] =	wrdreg $0x60  }
0xab: {  	[dreg:$0x2] =	wrdreg s0  }
0xac: {  	[dreg:$0x3] =	wrdreg s22  }
0xad: {  	[dreg:$0x4] =	wrdreg $0x9  }
0xae: {  	_ =	task.clear_ibuf [dreg:s5], $0x5FFFF;
	_ =	strace $0x90000049  }
0xaf: {  	s26 =	simm.s32 $0x9;
	_ =	strace $0x8000004B  }
0xb0: {  	_ =	swait.ge [sflag:s26], $0x1  }
0xb1: {  	[sflag:s26] =	ssyncadd.s32 $0xFFFFFFFF  }
0xb2: {  	_ =	strace $0x9000004B  }
0xb3: {  	_ =	sfence  }
0xb4: {  	s28 =	sld [smem:$0x0];
	_ =	sdelay $0x1  }
0xb5: {  	s29 =	srdreg.scid  }
0xb6: {  	s30 =	sshll.u32 s29, $0xD;
	s31 =	sshrl.u32 s29, $0x2  }
0xb7: {  	s2 =	sand.u32 $0x4000, s30;
	s1 =	sand.u32 $0x1, s29;
	s0 =	sadd.s32 s31, s28  }
0xb8: {  	s1 =	sor.u32 s2, s1;
	s0 =	sshll.u32 s0, $0x11  }
0xb9: {  	s0 =	sor.u32 s0, s1  }
0xba: {  	s0 =	sadd.s32 $0x8F2B, s0  }
0xbb: {  	[sflag:s0] =	ssyncadd.remote.s32 $0x1  }
0xbc: {  	_ =	sfence.sel $0xFFFF  }
0xbd: {  	[dreg:$0x0] =	wrdreg $0xFFFFFFFF;
	(pc) =	sbr.abs _section_cstart, $3  }
0xbe: {  	[dreg:$0x1] =	wrdreg $0xFFFFFFFF  }
0xbf: {  	_ =	task.clear_ibuf [dreg:s5], $0x2FFFF;
	_ =	strace $0x9FFFFFFF  }
0xc0: {  	(tm) =	ssettm $0x7FFFFFFF  }
0xc1: {  	_ =	shalt  }
tec
execute0_lowered:
.L_overlay_start_1:
0x0: {  	(tag) =	ssettag $0x1  }
0x1: {  	s1 =	rddreg [dreg:$0x0]  }
0x2: {  	s0 =	rddreg [dreg:$0x1];
	_ =	strace $0x8000004A;
	s2 =	simm.s32 $0x1  }
0x3: {  	s8 =	simm.s32 $0x108;
	v0 =	vimm.s32 $0x0;
	[sflag:s2] =	ssyncpa.u1 $0x0  }
0x4: {  	[tilespmem:s8+$0x70] =	vst v0  }
0x5: {  	[tilespmem:s8+$0x60] =	vst v0  }
0x6: {  	[tilespmem:s8+$0x50] =	vst v0  }
0x7: {  	[tilespmem:s8+$0x40] =	vst v0  }
0x8: {  	[tilespmem:s8+$0x30] =	vst v0  }
0x9: {  	s3 =	sadd.s32 $0x1865C00, s0;
	[tilespmem:s8+$0x20] =	vst v0  }
0xa: {  	s4 =	sadd.s32 $0x82DC00, s0;
	s5 =	sadd.s32 $0x1886000, s0;
	s2 =	simm.s32 $0x40;
	[tilespmem:s8+$0x10] =	vst v0  }
.LBB2_1:
0xb: {  	s2 =	sadd.s32 $0x40, s2;
	[tilespmem:s8+$0x0] =	vst v0;
	s8 =	sadd.s32 $0x80, s8  }
0xc: {  	p0 =	slt.u32 s2, $0x3C40;
	[tilespmem:s8+$0x70] =	vst v0  }
0xd: {  	[tilespmem:s8+$0x60] =	vst v0  }
.Ltmp0:
0xe: {  	[tilespmem:s8+$0x50] =	vst v0;
	(pc) =	sbr.rel @p0 .LBB2_1-.Ltmp0, $4  }
0xf: {  	[tilespmem:s8+$0x40] =	vst v0  }
0x10: {  	[tilespmem:s8+$0x30] =	vst v0  }
0x11: {  	[tilespmem:s8+$0x20] =	vst v0  }
0x12: {  	[tilespmem:s8+$0x10] =	vst v0  }
0x13: {  	s13 =	stileid.u32  }
0x14: {  	s0 =	smul.u32 $0x112, s13  }
0x15: {  	s2 =	smin.u32 s13, $0xB  }
0x16: {  	s0 =	sadd.s32 s2, s0  }
0x17: {  	p0 =	slt.u32 s13, $0xB;
	s6 =	smul.u32 $0xF0, s0;
	s0 =	simm.s32 $0x101D0  }
0x18: {  	s0 =	simm.s32 @!p0 $0x100E0  }
0x19: {  	s0 =	sadd.s32 s0, s6  }
0x1a: {  	s7 =	smin.u32 s0, $0x1017AC  }
0x1b: {  	s0 =	ssub.s32 s7, s6  }
0x1c: {  	p0 =	sgt.s32 s0, $0x0  }
0x1d: {  	s0 =	simm.s32 @!p0 $0x0  }
0x1e: {  	s31 =	smulhi.u32 $0x88888889, s0  }
0x1f: {  	s30 =	simm.s32 $0x2;
	s9 =	simm.s32 $0x7;
	s10 =	simm.s32 $0x8  }
0x20: {  	s19 =	simm.s32 $0x0;
	s15 =	simm.s32 $0xA;
	s2 =	sshrl.u32 s31, $0x7  }
0x21: {  	s17 =	simm.s32 $0x0;
	s18 =	simm.s32 $0x0;
	s11 =	smul.u32 $0xF0, s2  }
.Ltmp1:
0x22: {  	[tilespmem:s8+$0x0] =	vst v0;
	v0 =	vimm.s32 $0xFFFFFFFF;
	[sflag:s30] =	ssyncpa.u1 $0x0;
	s13 =	sshll.u32 s13, $0x8;
	(pc) =	sbr.rel .LBB2_3-.Ltmp1, $4  }
0x23: {  	[tilespmem:$0xF208] =	vst v0;
	[sflag:s9] =	ssyncpa.u1 $0x0;
	p0 =	sne.s32 s0, s11;
	s0 =	simm.s32 $0x1  }
0x24: {  	[sflag:s10] =	ssyncpa.u1 $0x0;
	s10 =	simm.s32 $0x9;
	s0 =	simm.s32 @!p0 $0x0  }
0x25: {  	[sflag:s10] =	ssyncpa.u1 $0x0;
	s16 =	smov.u32 s6;
	s12 =	sadd.s32 s0, s2  }
0x26: {  	v0 =	vlaneseq.u32;
	s11 =	simm.s32 $0x1;
	p0 =	por $0x0, $0x0;
	s14 =	sadd.s32 $0x1, s12  }
.LBB2_18:
0x27: {  	s0 =	sshrl.u32 s28, $0x2  }
.LBB2_20:
0x28: {  	_ =	swait.ge [sflag:s15], s0  }
0x29: {  	s31 =	ssub.s32 $0x0, s0;
	v1 =	vmov s21;
	vm0 =	veq.s32 v0, $0x0;
	[sflag:s15] =	ssyncset.done $0x0  }
0x2a: {  	vm15 =	veq.s32 v0, $0x2;
	v1 =	vsel vm0, s26, v1;
	[sflag:s15] =	ssyncadd.s32 s31  }
0x2b: {  	v1 =	vsel vm15, s19, v1;
	[sflag:s15] =	ssyncpa.u1 $0x1  }
0x2c: {  	[tilespmem:$0xF208] =	vst v1  }
.LBB2_21:
0x2d: {  	s0 =	sadd.s32 $0xF0, s16  }
0x2e: {  	s2 =	smov.u32 s6;
	p1 =	slt.s32 s0, s7  }
0x2f: {  	s2 =	smov.u32 @p1 s0;
	p1 =	sne.s32 s18, s14  }
.Ltmp2:
0x30: {  	_ = 	snop;
	(pc) =	sbr.rel @!p1 .LBB2_22-.Ltmp2, $3  }
0x31: {  	_ =	sdelay $0x1  }
0x32: {  	s19 =	smov.u32 s17;
	s31 =	sadd.s32 $0x1, s18;
	s17 =	smov.u32 s16  }
0x33: {  	p0 =	por !p0, !p0;
	s18 =	smov.u32 s31;
	s16 =	smov.u32 s2  }
.LBB2_3:
0x34: {  	p1 =	sge.u32 s18, s12  }
0x35: {  	s0 =	smulhi.u32 @!p1 $0xAAAAAAAB, s18  }
0x36: {  	s2 =	smov.u32 s16;
	p2 =	sgt.s32 @!p1 s16, $0x1016BC  }
0x37: {  	s20 =	sshra.s32 @!p1 s16, $0x1F;
	p2 =	por !p2, p1;
	s0 =	sshrl.u32 @!p1 s0, $0x1  }
0x38: {  	s20 =	sand.u32 @!p1 s20, s16;
	s2 =	simm.s32 @p2 $0x1016BC;
	s0 =	smul.u32 @!p1 $0x3, s0  }
0x39: {  	s2 =	ssub.s32 @!p1 s2, s20  }
0x3a: {  	s2 =	sadd.s32 @!p1 $0xFFEFE944, s2;
	s0 =	ssub.s32 @!p1 s18, s0  }
0x3b: {  	s20 =	sshll.u32 @!p1 s2, $0x2;
	p2 =	sgt.s32 @!p1 s2, $0xEF;
	s0 =	smul.u32 @!p1 $0x3C0, s0  }
0x3c: {  	s21 =	sand.u32 @!p1 $0x7, s16;
	s2 =	ssub.s32 @!p1 $0x3C0, s20;
	p2 =	por !p2, p1  }
0x3d: {  	s20 =	sshrl.u32 @!p1 s16, $0x3;
	s2 =	sshrl.u32 @!p1 s2, $0x2;
	s0 =	sshrl.u32 @!p1 s0, $0x2  }
0x3e: {  	s20 =	sadd.s32 @!p1 s5, s20;
	s2 =	simm.s32 @!p2 $0x0;
	s0 =	sadd.s32 @!p1 $0x10238, s0  }
0x3f: {  	[tilespmem:s0], [sflag:$0x8] =	stream.linear.gather @!p1 [hbm4b:s20+s21], s2, $0x38;
	[tilespmem:$0x1F6E8] =	vst v63  }
0x40: {  	s0 =	sadd.s32 $0xFFFFFFFF, s18  }
0x41: {  	p1 =	sge.u32 s0, s12  }
0x42: {  	p2 =	sgt.s32 @!p1 s17, $0x1016BC  }
0x43: {  	s2 =	smov.u32 s17;
	s20 =	sshra.s32 @!p1 s17, $0x1F;
	p2 =	por !p2, p1  }
0x44: {  	s20 =	sand.u32 @!p1 s20, s17;
	s2 =	simm.s32 @p2 $0x1016BC  }
0x45: {  	s2 =	ssub.s32 @!p1 s2, s20  }
0x46: {  	s2 =	sadd.s32 @!p1 $0xFFEFE944, s2  }
0x47: {  	s21 =	sand.u32 @!p1 $0x1, s0;
	s20 =	sshll.u32 @!p1 s2, $0x2  }
0x48: {  	p2 =	sgt.s32 @!p1 s2, $0xEF;
	s2 =	ssub.s32 @!p1 $0x3C0, s20;
	s20 =	smulhi.u32 @!p1 $0xAAAAAAAB, s0  }
0x49: {  	s23 =	smul.u32 @!p1 $0x3C0, s21;
	p2 =	por !p2, p1;
	s2 =	sshrl.u32 @!p1 s2, $0x2  }
0x4a: {  	s22 =	simm.s32 @!p1 $0x8;
	s2 =	simm.s32 @!p2 $0x0;
	s20 =	sshrl.u32 @!p1 s20, $0x1  }
0x4b: {  	s23 =	sshrl.u32 @!p1 s23, $0x2;
	_ =	swait.ge @!p1 [sflag:s22], s2;
	s20 =	smul.u32 @!p1 $0x3, s20  }
0x4c: {  	s23 =	sor.u32 @!p1 $0x10508, s23;
	s24 =	ssub.s32 @!p1 $0x0, s2;
	[sflag:s22] =	ssyncset.done @!p1 $0x0  }
0x4d: {  	[sflag:s22] =	ssyncadd.s32 @!p1 s24;
	s22 =	sshrl.u32 @!p1 s17, $0x3;
	s0 =	ssub.s32 @!p1 s0, s20  }
0x4e: {  	s24 =	sand.u32 @!p1 $0x7, s17;
	s22 =	sadd.s32 @!p1 s3, s22;
	s0 =	smul.u32 @!p1 $0x3C0, s0  }
0x4f: {  	[tilespmem:s23], [sflag:$0x9] =	stream.linear.gather @!p1 [hbm4b:s22+s24], s2, $0x38;
	[tilespmem:$0x1F6E8] =	vst v63  }
0x50: {  	s20 =	ssub.s32 @!p1 $0x1017AC, s17;
	s2 =	smul.u32 @!p1 $0x1E000, s21  }
0x51: {  	p2 =	slt.s32 @!p1 s20, $0xF0  }
0x52: {  	p2 =	por !p2, p1;
	s0 =	sshrl.u32 @!p1 s0, $0x2;
	s2 =	sshrl.u32 @!p1 s2, $0x2  }
0x53: {  	s20 =	simm.s32 @p2 $0xF0;
	s0 =	sadd.s32 @!p1 $0x10238, s0;
	s2 =	sor.u32 @!p1 $0x106E8, s2  }
0x54: {  	[tilespmem:s2], [sflag:$0x7] =	stream.indirect.gather @!p1 [hbm4b:s4+s20], $0x80, s0, s20, $0xb8;
	[tilespmem:$0x1F6E8] =	vst v63  }
0x55: {  	p1 =	slt.u32 s18, $0x2  }
.Ltmp3:
0x56: {  	_ = 	snop;
	(pc) =	sbr.rel @p1 .LBB2_21-.Ltmp3, $1  }
0x57: {  	_ =	sdelay $0x3  }
0x58: {  	p1 =	sgt.s32 s19, $0x1016BC;
	s0 =	smov.u32 s19;
	s2 =	sshra.s32 s19, $0x1F  }
0x59: {  	s20 =	ssub.s32 $0x1017AC, s19;
	s0 =	simm.s32 @!p1 $0x1016BC  }
0x5a: {  	s2 =	sand.u32 s2, s19;
	p1 =	slt.s32 s20, $0xF0;
	s21 =	smov.u32 s20  }
0x5b: {  	s0 =	ssub.s32 s0, s2;
	s21 =	simm.s32 @!p1 $0xF0  }
0x5c: {  	s0 =	sadd.s32 $0xFFEFE944, s0;
	s28 =	sshll.u32 s21, $0x7  }
0x5d: {  	s29 =	sshll.u32 s0, $0x2;
	s2 =	sand.u32 $0x3FFFFF80, s28  }
0x5e: {  	p1 =	sgt.s32 s0, $0xEF;
	s30 =	ssub.s32 $0x3C0, s29;
	_ =	swait.ge [sflag:s9], s2  }
0x5f: {  	s2 =	ssub.s32 $0x0, s2;
	[sflag:s9] =	ssyncset.done $0x0;
	s0 =	sshrl.u32 s30, $0x2  }
0x60: {  	[sflag:s9] =	ssyncadd.s32 s2;
	s0 =	simm.s32 @p1 $0x0  }
0x61: {  	_ =	swait.ge [sflag:s10], s0  }
0x62: {  	s0 =	ssub.s32 $0x0, s0;
	[sflag:s10] =	ssyncset.done $0x0  }
0x63: {  	[sflag:s10] =	ssyncadd.s32 s0  }
0x64: {  	v1 =	vld [tilespmem:$0xF208];
	_ =	sdelay $0x4  }
0x65: {  	(v2sf) =	vpush v1, $0x0  }
0x66: {  	(v2sf) =	vpush v1, $0x1  }
0x67: {  	(v2sf) =	vpush v1, $0x2;
	_ =	sdelay $0x3  }
0x68: {  	s0 =	sadd.s32 $0xF0, s19  }
0x69: {  	p1 =	slt.s32 s7, s0  }
0x6a: {  	s0 =	smov.u32 @p1 s7;
	p1 =	sgt.s32 s20, $0x0  }
0x6b: {  	s23 =	ssub.s32 s0, s19;
	s20 =	simm.s32 @!p1 $0x0  }
0x6c: {  	p1 =	slt.s32 s20, s23  }
0x6d: {  	s23 =	smov.u32 @p1 s20  }
0x6e: {  	s22 =	simm.s32 $0x1;
	p1 =	slt.s32 s23, $0x1  }
.Ltmp4:
0x6f: {  	s22 =	simm.s32 @!p0 $0x0;
	(pc) =	sbr.rel @p1 .LBB2_8-.Ltmp4, $4  }
0x70: {  	s31 =	smul.u32 $0x3C0, s22  }
0x71: {  	s24 =	spop (v2sf)  }
0x72: {  	s0 =	sshrl.u32 s31, $0x2;
	s26 =	spop (v2sf)  }
0x73: {  	s20 =	sor.u32 $0x10508, s0;
	s19 =	spop (v2sf)  }
0x74: {  	s0 =	smin.u32 s23, $0x10  }
0x75: {  	v1 =	vmov s0  }
0x76: {  	p2 =	sgt.s32 s23, $0x10;
	vm1 =	vgt.u32 v1, v0  }
.Ltmp5:
0x77: {  	_ = 	snop;
	(pc) =	sbr.rel @!p2 .LBB2_7-.Ltmp5, $2  }
0x78: {  	_ =	sdelay $0x2  }
0x79: {  	s25 =	simm.s32 $0x10;
	s28 =	sadd.s32 $0xFFFFFFF0, s23;
	s21 =	smov.u32 s20;
	vm0 =	vmmov vm1  }
.LBB2_6:
0x7a: {  	s0 =	smin.u32 s28, $0x10;
	s25 =	sadd.s32 $0x10, s25;
	v1 =	vld.msk [tilespmem:s21+$0x0 ss:$0x1], vm1  }
0x7b: {  	v2 =	vmov s0;
	p2 =	slt.s32 s25, s23  }
0x7c: {  	vm1 =	vgt.u32 v2, v0  }
.Ltmp6:
0x7d: {  	(pc) =	sbr.rel @p2 .LBB2_6-.Ltmp6, $3  }
0x7e: {  	_ =	sdelay $0x1  }
0x7f: {  	v1 =	vshll.u32 v1, $0x4  }
0x80: {  	s28 =	sadd.s32 $0xFFFFFFF0, s28;
	[tilespmem:s21+$0x0] =	vst.msk vm0, v1;
	s21 =	sadd.s32 $0x10, s21;
	vm0 =	vmmov vm1  }
.LBB2_7:
0x81: {  	_ =	sdelay $0x4  }
0x82: {  	v1 =	vld.msk [tilespmem:s21+$0x0 ss:$0x1], vm1;
	_ =	sdelay $0x4  }
0x83: {  	v1 =	vshll.u32 v1, $0x4  }
0x84: {  	[tilespmem:s21+$0x0] =	vst.msk vm0, v1  }
.LBB2_8:
0x85: {  	s0 =	sand.u32 $0x1, s18  }
0x86: {  	s0 =	smul.u32 $0xF0, s0  }
0x87: {  	p2 =	sne.s32 s26, $0xFFFFFFFF  }
0x88: {  	v1 =	vld.msk @!p2 [tilespmem:s0+$0x10508], $0x1;
	_ =	sdelay $0x4  }
0x89: {  	(v2sf) =	vpush @!p2 v1, $0x0;
	_ =	sdelay $0xc  }
.Ltmp7:
0x8a: {  	_ = 	snop;
	(pc) =	sbr.rel @p1 .LBB2_19-.Ltmp7, $4  }
0x8b: {  	_ = 	snop  }
0x8c: {  	s25 =	spop @!p2 (v2sf)  }
0x8d: {  	s19 =	simm.s32 @!p2 $0x0;
	s21 =	smov.u32 s25  }
0x8e: {  	[sflag:s15] =	ssyncpa.u1 $0x0;
	s25 =	smov.u32 @p2 s24;
	s21 =	smov.u32 @p2 s26  }
0x8f: {  	v1 =	vld.msk [tilespmem:s20+$0x0], $0x1;
	_ =	sdelay $0x4  }
0x90: {  	(v2sf) =	vpush v1, $0x0;
	_ =	sdelay $0xe  }
0x91: {  	s0 =	smul.u32 $0x1E000, s22;
	s29 =	spop (v2sf)  }
0x92: {  	s23 =	ssub.s32 $0x0, s23;
	p1 =	seq.s32 s25, s29  }
0x93: {  	s26 =	sadd.s32 $0x1, s23;
	s0 =	sshrl.u32 s0, $0x2;
	p2 =	sgt.s32 @!p1 s25, $0x0  }
0x94: {  	s22 =	sor.u32 $0x10728, s0;
	s0 =	smov.u32 s25;
	p2 =	por !p2, p1  }
0x95: {  	s0 =	simm.s32 @p2 $0x0;
	p2 =	seq.s32 s26, $0x0  }
.Ltmp8:
0x96: {  	_ = 	snop;
	(pc) =	sbr.rel @p2 .LBB2_11-.Ltmp8, $4  }
0x97: {  	_ = 	snop  }
0x98: {  	s24 =	simm.s32 $0x0;
	s28 =	sadd.s32 $0x1, s20;
	s0 =	smin.u32 @!p1 s0, $0xC34F0  }
0x99: {  	s30 =	simm.s32 @!p1 $0x1;
	s31 =	simm.s32 @!p1 $0x7988;
	s2 =	sand.u32 @!p1 $0xFFFF8, s0  }
0x9a: {  	s30 =	smov.u32 @p1 s24;
	s0 =	sand.u32 @!p1 $0x7, s0;
	s2 =	sadd.s32 @!p1 s1, s2  }
.LBB2_10:
0x9b: {  	s8 =	smov.u32 s30  }
0x9c: {  	[tilespmem:s31], [sflag:$0x2] =	stream.linear.gather @!p1 [hbm4b:s2+s0], $0x80, $0x38;
	[tilespmem:$0x1F6E8] =	vst v63  }
0x9d: {  	s26 =	sadd.s32 $0x1, s26;
	s0 =	smov.u32 s29;
	v1 =	vld.msk [tilespmem:s28+$0x0], $0x1  }
0x9e: {  	p2 =	seq.s32 s26, $0x0;
	_ =	sdelay $0x3  }
0x9f: {  	(v2sf) =	vpush v1, $0x0;
	_ =	sdelay $0xe  }
0xa0: {  	s29 =	spop (v2sf)  }
0xa1: {  	p1 =	seq.s32 s0, s29  }
0xa2: {  	p3 =	sgt.s32 @!p1 s0, $0x0;
	s2 =	sshll.u32 @!p1 s30, $0x9;
	s30 =	sadd.s32 @!p1 $0x1, s30  }
.Ltmp9:
0xa3: {  	p3 =	por !p3, p1;
	s2 =	sshra.s32 @!p1 s2, $0x2;
	(pc) =	sbr.rel @!p2 .LBB2_10-.Ltmp9, $4  }
0xa4: {  	s30 =	smov.u32 @p1 s8;
	s0 =	simm.s32 @p3 $0x0;
	s31 =	sadd.s32 @!p1 $0x7988, s2  }
0xa5: {  	s0 =	smin.u32 @!p1 s0, $0xC34F0  }
0xa6: {  	s2 =	sand.u32 @!p1 $0xFFFF8, s0;
	s0 =	sand.u32 @!p1 $0x7, s0  }
0xa7: {  	s28 =	sadd.s32 $0x1, s28;
	s2 =	sadd.s32 @!p1 s1, s2  }
.LBB2_11:
0xa8: {  	[tilespmem:s31], [sflag:$0x2] =	stream.linear.gather @!p1 [hbm4b:s2+s0], $0x80, $0x38;
	[tilespmem:$0x1F6E8] =	vst v63  }
.Ltmp10:
0xa9: {  	s30 =	sshll.u32 s30, $0x7;
	(pc) =	sbr.rel .LBB2_12-.Ltmp10, $4  }
0xaa: {  	s31 =	simm.s32 $0x2;
	s0 =	sand.u32 $0x3FFFFF80, s30  }
0xab: {  	_ =	swait.ge [sflag:s31], s0  }
0xac: {  	s0 =	ssub.s32 $0x0, s0;
	[sflag:s31] =	ssyncset.done $0x0  }
0xad: {  	s28 =	simm.s32 $0x0;
	[sflag:s31] =	ssyncadd.s32 s0  }
.LBB2_13:
0xae: {  	v1 =	vld [tilespmem:s22+$0xFFFFFFC0];
	_ =	sdelay $0x3  }
0xaf: {  	s0 =	sshra.s32 s0, $0x2  }
0xb0: {  	[tilespmem:s0+$0x108] =	vst.add.f32.msk $0xffff, v1  }
0xb1: {  	v1 =	vld [tilespmem:s22+$0xFFFFFFD0];
	_ =	sdelay $0x4  }
0xb2: {  	[tilespmem:s0+$0x118] =	vst.add.f32.msk $0xffff, v1  }
0xb3: {  	v1 =	vld [tilespmem:s22+$0xFFFFFFE0];
	_ =	sdelay $0x4  }
0xb4: {  	[tilespmem:s0+$0x128] =	vst.add.f32.msk $0xffff, v1  }
0xb5: {  	v1 =	vld [tilespmem:s22+$0xFFFFFFF0];
	_ =	sdelay $0x4  }
0xb6: {  	[tilespmem:s0+$0x138] =	vst.add.f32.msk $0xffff, v1  }
0xb7: {  	v1 =	vld [tilespmem:s22+$0x0];
	_ =	sdelay $0x4  }
0xb8: {  	[tilespmem:s0+$0x148] =	vst.add.f32.msk $0xffff, v1  }
0xb9: {  	v1 =	vld [tilespmem:s22+$0x10];
	_ =	sdelay $0x4  }
0xba: {  	[tilespmem:s0+$0x158] =	vst.add.f32.msk $0xffff, v1  }
0xbb: {  	v1 =	vld [tilespmem:s22+$0x20];
	_ =	sdelay $0x4  }
0xbc: {  	[tilespmem:s0+$0x168] =	vst.add.f32.msk $0xffff, v1  }
0xbd: {  	v1 =	vld [tilespmem:s22+$0x30];
	_ =	sdelay $0x4  }
0xbe: {  	[tilespmem:s0+$0x178] =	vst.add.f32.msk $0xffff, v1  }
.LBB2_17:
0xbf: {  	s23 =	sadd.s32 $0x1, s23  }
0xc0: {  	p1 =	seq.s32 s23, $0x0  }
.Ltmp11:
0xc1: {  	_ = 	snop;
	(pc) =	sbr.rel @p1 .LBB2_18-.Ltmp11, $2  }
0xc2: {  	_ =	sdelay $0x2  }
0xc3: {  	s20 =	sadd.s32 $0x1, s20;
	s22 =	sadd.s32 $0x80, s22;
	s25 =	smov.u32 s26  }
.LBB2_12:
0xc4: {  	v1 =	vld.msk [tilespmem:s20+$0x0], $0x1;
	_ =	sdelay $0x4  }
0xc5: {  	(v2sf) =	vpush v1, $0x0;
	_ =	sdelay $0xe  }
0xc6: {  	s26 =	spop (v2sf)  }
0xc7: {  	p1 =	sne.s32 s25, s26  }
.Ltmp12:
0xc8: {  	_ = 	snop;
	(pc) =	sbr.rel @!p1 .LBB2_13-.Ltmp12, $2  }
0xc9: {  	_ =	sdelay $0x2  }
0xca: {  	s0 =	sshll.u32 s19, $0x9  }
0xcb: {  	p1 =	seq.s32 s25, s21  }
.Ltmp13:
0xcc: {  	_ = 	snop;
	(pc) =	sbr.rel @!p1 .LBB2_15-.Ltmp13, $1  }
0xcd: {  	_ =	sdelay $0x3  }
0xce: {  	s0 =	sshra.s32 s0, $0x2  }
.Ltmp14:
0xcf: {  	s0 =	sadd.s32 $0x108, s0;
	(pc) =	sbr.rel .LBB2_16-.Ltmp14, $4  }
0xd0: {  	[spmem:s13] =	stream.linear.scatter [tilespmem:s0], [sflag:$0x1], $0x80, $0x38;
	[tilespmem:$0x1F6E8] =	vst v63  }
0xd1: {  	_ =	swait.ge [sflag:s11], $0x80  }
0xd2: {  	[sflag:s11] =	ssyncset.done $0x0  }
0xd3: {  	[sflag:s11] =	ssyncadd.s32 $0xFFFFFF80  }
.LBB2_15:
0xd4: {  	s2 =	sshll.u32 s24, $0x9  }
0xd5: {  	s2 =	sshra.s32 s2, $0x2  }
0xd6: {  	v1 =	vld [tilespmem:s2+$0x7988];
	_ =	sdelay $0x3  }
0xd7: {  	s0 =	sshra.s32 s0, $0x2  }
0xd8: {  	[tilespmem:s0+$0x108] =	vst.add.f32.msk $0xffff, v1  }
0xd9: {  	v1 =	vld [tilespmem:s2+$0x7998];
	_ =	sdelay $0x4  }
0xda: {  	[tilespmem:s0+$0x118] =	vst.add.f32.msk $0xffff, v1  }
0xdb: {  	v1 =	vld [tilespmem:s2+$0x79A8];
	_ =	sdelay $0x4  }
0xdc: {  	[tilespmem:s0+$0x128] =	vst.add.f32.msk $0xffff, v1  }
0xdd: {  	v1 =	vld [tilespmem:s2+$0x79B8];
	_ =	sdelay $0x4  }
0xde: {  	[tilespmem:s0+$0x138] =	vst.add.f32.msk $0xffff, v1  }
0xdf: {  	v1 =	vld [tilespmem:s2+$0x79C8];
	_ =	sdelay $0x4  }
0xe0: {  	[tilespmem:s0+$0x148] =	vst.add.f32.msk $0xffff, v1  }
0xe1: {  	v1 =	vld [tilespmem:s2+$0x79D8];
	_ =	sdelay $0x4  }
0xe2: {  	[tilespmem:s0+$0x158] =	vst.add.f32.msk $0xffff, v1  }
0xe3: {  	v1 =	vld [tilespmem:s2+$0x79E8];
	_ =	sdelay $0x4  }
0xe4: {  	[tilespmem:s0+$0x168] =	vst.add.f32.msk $0xffff, v1  }
0xe5: {  	v1 =	vld [tilespmem:s2+$0x79F8];
	_ =	sdelay $0x2  }
0xe6: {  	p1 =	sgt.u32 s25, $0xC34F0  }
0xe7: {  	s2 =	sand.u32 @!p1 $0xFFFF8, s25  }
0xe8: {  	s8 =	sadd.s32 $0x108, s0;
	[tilespmem:s0+$0x178] =	vst.add.f32.msk $0xffff, v1;
	s0 =	sadd.s32 @!p1 s1, s2;
	s2 =	sand.u32 @!p1 $0x7, s25  }
0xe9: {  	[hbm4b:s0+s2] =	stream.linear.scatter @!p1 [tilespmem:s8], [sflag:$0xA], $0x80, $0x38;
	[tilespmem:$0x1F6E8] =	vst v63  }
0xea: {  	s0 =	simm.s32 $0x0  }
0xeb: {  	s0 =	simm.s32 @!p1 $0x200  }
0xec: {  	s28 =	sadd.s32 s0, s28  }
.LBB2_16:
0xed: {  	s0 =	sadd.s32 $0x1, s19  }
0xee: {  	s2 =	smulhi.u32 $0x88888889, s0;
	_ =	sdelay $0x1  }
0xef: {  	v1 =	vld [tilespmem:s22+$0xFFFFFFC0];
	s2 =	sshrl.u32 s2, $0x7  }
0xf0: {  	s2 =	smul.u32 $0xF0, s2;
	_ =	sdelay $0x1  }
0xf1: {  	s19 =	ssub.s32 s0, s2  }
0xf2: {  	s0 =	sshll.u32 s19, $0x7  }
0xf3: {  	[tilespmem:s0+$0x108] =	vst v1  }
0xf4: {  	v1 =	vld [tilespmem:s22+$0xFFFFFFD0];
	_ =	sdelay $0x4  }
0xf5: {  	[tilespmem:s0+$0x118] =	vst v1  }
0xf6: {  	v1 =	vld [tilespmem:s22+$0xFFFFFFE0];
	_ =	sdelay $0x4  }
0xf7: {  	[tilespmem:s0+$0x128] =	vst v1  }
0xf8: {  	v1 =	vld [tilespmem:s22+$0xFFFFFFF0];
	_ =	sdelay $0x4  }
0xf9: {  	[tilespmem:s0+$0x138] =	vst v1  }
0xfa: {  	v1 =	vld [tilespmem:s22+$0x0];
	_ =	sdelay $0x4  }
0xfb: {  	[tilespmem:s0+$0x148] =	vst v1  }
0xfc: {  	v1 =	vld [tilespmem:s22+$0x10];
	_ =	sdelay $0x4  }
0xfd: {  	[tilespmem:s0+$0x158] =	vst v1  }
0xfe: {  	v1 =	vld [tilespmem:s22+$0x20];
	_ =	sdelay $0x4  }
0xff: {  	[tilespmem:s0+$0x168] =	vst v1  }
0x100: {  	v1 =	vld [tilespmem:s22+$0x30]  }
.Ltmp15:
0x101: {  	_ = 	snop;
	(pc) =	sbr.rel .LBB2_17-.Ltmp15, $2  }
0x102: {  	_ =	sdelay $0x2  }
0x103: {  	s24 =	sadd.s32 $0x1, s24;
	[tilespmem:s0+$0x178] =	vst v1  }
.LBB2_19:
.Ltmp16:
0x104: {  	(pc) =	sbr.rel .LBB2_20-.Ltmp16, $4  }
0x105: {  	_ = 	snop  }
0x106: {  	s0 =	simm.s32 $0x2  }
0x107: {  	_ =	swait.ge [sflag:s0], $0x0  }
0x108: {  	s26 =	smov.u32 s25;
	[sflag:s0] =	ssyncset.done $0x0;
	s0 =	simm.s32 $0x0  }
.LBB2_22:
0x109: {  	_ =	sfence.sel $0x180000  }
0x10a: {  	s0 =	simm.s32 $0x7;
	[bflag:$0x0] =	sbarrier.arrive $0xFFFF  }
0x10b: {  	s25 =	simm.s32 $0x8;
	[sflag:s0] =	ssyncpa.u1 $0x1  }
0x10c: {  	s26 =	simm.s32 $0x9;
	[sflag:s25] =	ssyncpa.u1 $0x1  }
0x10d: {  	s28 =	simm.s32 $0x2;
	[sflag:s26] =	ssyncpa.u1 $0x1  }
0x10e: {  	[sflag:s28] =	ssyncpa.u1 $0x1  }
0x10f: {  	v0 =	vld [tilespmem:$0xF208];
	_ =	sdelay $0x4  }
0x110: {  	(v2sf) =	vpush v0, $0x0  }
0x111: {  	(v2sf) =	vpush v0, $0x1;
	_ =	sdelay $0x1  }
0x112: {  	(v2sf) =	vpush v0, $0x2;
	_ =	sdelay $0xb  }
0x113: {  	s0 =	spop (v2sf)  }
0x114: {  	s2 =	spop (v2sf)  }
0x115: {  	s3 =	smov.u32 s0;
	p0 =	sne.s32 s0, s2  }
0x116: {  	s4 =	spop (v2sf);
	s3 =	simm.s32 @!p0 $0xFFFFFFFF  }
0x117: {  	v2 =	vimm.s32 $0x1;
	v3 =	vlaneseq.u32;
	p0 =	seq.s32 s4, $0xFFFFFFFF;
	v1 =	vmov s3  }
0x118: {  	s7 =	stileid.u32;
	v0 =	vperm.xlane v0, v2;
	p1 =	sne.s32 @!p0 s0, s2;
	v1 =	vperm.xlane v1, v3  }
0x119: {  	vm0 =	vcmask $0x3F04;
	s6 =	simm.s32 $0xF208;
	s0 =	simm.s32 @!p0 $0x1;
	p1 =	por !p1, p0  }
0x11a: {  	s3 =	sshll.u32 s7, $0x1;
	s2 =	sshll.u32 @!p0 s4, $0x9;
	s0 =	simm.s32 @p1 $0x0;
	v0 =	vsel vm0, v1, v0  }
0x11b: {  	s5 =	sor.u32 $0x1000, s3;
	s2 =	sshra.s32 @!p0 s2, $0x2;
	s0 =	sor.u32 @!p0 s0, s3;
	[tilespmem:$0xF208] =	vst v0  }
0x11c: {  	[spmem:s5] =	stream.linear.scatter [tilespmem:s6], [sflag:$0x1], $0x2, $0x38;
	[tilespmem:$0x1F6E8] =	vst v63  }
0x11d: {  	s2 =	sadd.s32 @!p0 $0x108, s2;
	s0 =	sshll.u32 @!p0 s0, $0x7  }
0x11e: {  	[spmem:s0] =	stream.linear.scatter @!p0 [tilespmem:s2], [sflag:$0x1], $0x80, $0x38;
	[tilespmem:$0x1F6E8] =	vst v63  }
0x11f: {  	s0 =	simm.s32 @!p0 $0x82  }
0x120: {  	s3 =	simm.s32 $0x1;
	s0 =	simm.s32 @p0 $0x2  }
0x121: {  	_ =	swait.ge [sflag:s3], s0  }
0x122: {  	s0 =	ssub.s32 $0x0, s0;
	[sflag:s3] =	ssyncset.done $0x0  }
0x123: {  	[sflag:s3] =	ssyncadd.s32 s0  }
0x124: {  	_ =	sfence.stream.spmem  }
0x125: {  	s29 =	simm.s32 $0x3;
	[bflag:$0x0] =	sbarrier.arrive $0xFFFF  }
0x126: {  	s30 =	simm.s32 $0x4;
	[sflag:s29] =	ssyncpa.u1 $0x1  }
0x127: {  	s31 =	simm.s32 $0x3C;
	[sflag:s30] =	ssyncpa.u1 $0x1  }
0x128: {  	p0 =	sne.s32 s7, $0x0;
	[sflag:s31] =	ssyncpa.u1 $0x1  }
0x129: {  	_ =	sfence @p0  }
0x12a: {  	[sflag:s3] =	ssyncpa.u1 @p0 $0x1  }
0x12b: {  	_ =	strace @p0 $0x9000004A  }
0x12c: {  	[bflag:$0x2] =	sbarrier.arrive @p0 $0xFFFF  }
0x12d: {  	_ =	shalt @p0  }
.LBB2_23:
0x12e: {  	_ =	sfence.stream.spmem;
	s0 =	simm.s32 $0x5  }
0x12f: {  	s2 =	simm.s32 $0x1000;
	s3 =	simm.s32 $0xF218;
	[sflag:s0] =	ssyncpa.u1 $0x0  }
0x130: {  	[tilespmem:s3], [sflag:$0x5] =	stream.linear.gather [spmem:s2], $0x20, $0x38;
	[tilespmem:$0x1F6E8] =	vst v63  }
0x131: {  	s30 =	simm.s32 $0xF238;
	s2 =	simm.s32 $0x0  }
0x132: {  	[tilespmem:s30], [sflag:$0x5] =	stream.linear.gather [spmem:s2], $0x1000, $0x38;
	[tilespmem:$0x1F6E8] =	vst v63  }
.Ltmp17:
0x133: {  	_ = 	snop;
	(pc) =	sbr.rel .LBB2_24-.Ltmp17, $4  }
0x134: {  	_ =	swait.ge [sflag:s0], $0x1020  }
0x135: {  	[sflag:s0] =	ssyncset.done $0x0  }
0x136: {  	s31 =	simm.s32 $0x6;
	[sflag:s0] =	ssyncadd.s32 $0xFFFFEFE0  }
0x137: {  	s3 =	simm.s32 $0x0;
	[sflag:s31] =	ssyncpa.u1 $0x0  }
.LBB2_30:
0x138: {  	p0 =	slt.u32 s4, $0xC34F1  }
0x139: {  	s0 =	sand.u32 @p0 $0xFFFF8, s4  }
0x13a: {  	s4 =	sand.u32 @p0 $0x7, s4;
	s5 =	simm.s32 @p0 $0xF188;
	s0 =	sadd.s32 @p0 s1, s0  }
0x13b: {  	[tilespmem:s5], [sflag:$0x6] =	stream.linear.gather @p0 [hbm4b:s0+s4], $0x80, $0x38;
	[tilespmem:$0x1F6E8] =	vst v63  }
0x13c: {  	s0 =	simm.s32 @p0 $0x6  }
0x13d: {  	_ =	swait.ge @p0 [sflag:s0], $0x80  }
0x13e: {  	[sflag:s0] =	ssyncset.done @p0 $0x0  }
0x13f: {  	[sflag:s0] =	ssyncadd.s32 @p0 $0xFFFFFF80  }
0x140: {  	v1 =	vld @p0 [tilespmem:$0xF188];
	_ =	sdelay $0x2  }
0x141: {  	s0 =	sshll.u32 @p0 s3, $0x9  }
0x142: {  	s4 =	sshrl.u32 @p0 s0, $0x2  }
0x143: {  	[tilespmem:s4+$0xF238] =	vst.add.f32.msk @p0 $0xffff, v1  }
0x144: {  	v1 =	vld @p0 [tilespmem:$0xF198];
	_ =	sdelay $0x4  }
0x145: {  	[tilespmem:s4+$0xF248] =	vst.add.f32.msk @p0 $0xffff, v1  }
0x146: {  	v1 =	vld @p0 [tilespmem:$0xF1A8];
	_ =	sdelay $0x4  }
0x147: {  	[tilespmem:s4+$0xF258] =	vst.add.f32.msk @p0 $0xffff, v1  }
0x148: {  	v1 =	vld @p0 [tilespmem:$0xF1B8];
	_ =	sdelay $0x4  }
0x149: {  	[tilespmem:s4+$0xF268] =	vst.add.f32.msk @p0 $0xffff, v1  }
0x14a: {  	v1 =	vld @p0 [tilespmem:$0xF1C8];
	_ =	sdelay $0x4  }
0x14b: {  	[tilespmem:s4+$0xF278] =	vst.add.f32.msk @p0 $0xffff, v1  }
0x14c: {  	v1 =	vld @p0 [tilespmem:$0xF1D8];
	_ =	sdelay $0x4  }
0x14d: {  	[tilespmem:s4+$0xF288] =	vst.add.f32.msk @p0 $0xffff, v1  }
0x14e: {  	v1 =	vld @p0 [tilespmem:$0xF1E8];
	_ =	sdelay $0x4  }
0x14f: {  	[tilespmem:s4+$0xF298] =	vst.add.f32.msk @p0 $0xffff, v1  }
0x150: {  	v1 =	vld @p0 [tilespmem:$0xF1F8];
	_ =	sdelay $0x3  }
0x151: {  	s5 =	sshll.u32 @!p0 s3, $0x9  }
0x152: {  	s5 =	smov.u32 @p0 s0;
	[tilespmem:s4+$0xF2A8] =	vst.add.f32.msk @p0 $0xffff, v1  }
0x153: {  	s0 =	sshrl.u32 s5, $0x2;
	[tilespmem:s2+$0xF218] =	vst.msk $0x1, v0  }
0x154: {  	v0 =	vld [tilespmem:s0+$0xF238];
	_ =	sdelay $0x2  }
0x155: {  	s31 =	sshll.u32 s2, $0x9  }
0x156: {  	s4 =	sshra.s32 s31, $0x2  }
0x157: {  	[tilespmem:s4+$0xF238] =	vst v0  }
0x158: {  	v0 =	vld [tilespmem:s0+$0xF248];
	_ =	sdelay $0x4  }
0x159: {  	[tilespmem:s4+$0xF248] =	vst v0  }
0x15a: {  	v0 =	vld [tilespmem:s0+$0xF258];
	_ =	sdelay $0x4  }
0x15b: {  	[tilespmem:s4+$0xF258] =	vst v0  }
0x15c: {  	v0 =	vld [tilespmem:s0+$0xF268];
	_ =	sdelay $0x4  }
0x15d: {  	[tilespmem:s4+$0xF268] =	vst v0  }
0x15e: {  	v0 =	vld [tilespmem:s0+$0xF278];
	_ =	sdelay $0x4  }
0x15f: {  	[tilespmem:s4+$0xF278] =	vst v0  }
0x160: {  	v0 =	vld [tilespmem:s0+$0xF288];
	_ =	sdelay $0x4  }
0x161: {  	[tilespmem:s4+$0xF288] =	vst v0  }
0x162: {  	v0 =	vld [tilespmem:s0+$0xF298];
	_ =	sdelay $0x4  }
0x163: {  	[tilespmem:s4+$0xF298] =	vst v0  }
0x164: {  	v0 =	vld [tilespmem:s0+$0xF2A8];
	_ =	sdelay $0x4  }
0x165: {  	s2 =	sadd.s32 $0x1, s2;
	[tilespmem:s4+$0xF2A8] =	vst v0  }
.LBB2_31:
0x166: {  	s3 =	sadd.s32 $0x1, s3  }
0x167: {  	p0 =	sne.s32 s3, $0x20  }
.Ltmp18:
0x168: {  	_ = 	snop;
	(pc) =	sbr.rel @!p0 .LBB2_32-.Ltmp18, $1  }
0x169: {  	_ =	sdelay $0x3  }
.LBB2_24:
0x16a: {  	v0 =	vld.msk [tilespmem:s3+$0xF218], $0x1;
	_ =	sdelay $0x4  }
0x16b: {  	(v2sf) =	vpush v0, $0x0;
	_ =	sdelay $0xe  }
0x16c: {  	s4 =	spop (v2sf)  }
0x16d: {  	p0 =	seq.s32 s4, $0xFFFFFFFF  }
.Ltmp19:
0x16e: {  	_ = 	snop;
	(pc) =	sbr.rel @p0 .LBB2_31-.Ltmp19, $1  }
0x16f: {  	_ =	sdelay $0x3  }
0x170: {  	p0 =	slt.s32 s2, $0x1  }
.Ltmp20:
0x171: {  	_ = 	snop;
	(pc) =	sbr.rel @p0 .LBB2_30-.Ltmp20, $1  }
0x172: {  	_ =	sdelay $0x3  }
0x173: {  	s5 =	simm.s32 $0xF218;
	p0 =	por $0x0, $0x0  }
0x174: {  	v1 =	vld.msk @!p0 [tilespmem:s5+$0x0], $0x1;
	_ =	sdelay $0x4  }
0x175: {  	(v2sf) =	vpush @!p0 v1, $0x0;
	_ =	sdelay $0xd  }
0x176: {  	p2 =	sne.s32 s2, $0x1  }
.Ltmp21:
0x177: {  	s0 =	spop @!p0 (v2sf);
	(pc) =	sbr.rel @!p2 .LBB2_28-.Ltmp21, $4  }
0x178: {  	p1 =	seq.s32 @!p0 s4, s0  }
0x179: {  	s6 =	simm.s32 $0x0;
	p1 =	por !p1, p0  }
0x17a: {  	s0 =	simm.s32 $0xFFFFFFFF;
	s6 =	simm.s32 @p1 $0xFFFFFFFF  }
0x17b: {  	s7 =	simm.s32 $0x1;
	s6 =	smov.u32 @p0 s0  }
.LBB2_27:
0x17c: {  	s0 =	smov.u32 s6;
	p0 =	sne.s32 s6, $0xFFFFFFFF  }
0x17d: {  	s5 =	sadd.s32 $0x1, s5;
	s6 =	smov.u32 s7;
	s7 =	sadd.s32 $0x1, s7  }
0x17e: {  	p1 =	sne.s32 s2, s7;
	v1 =	vld.msk @!p0 [tilespmem:s5+$0x0], $0x1;
	_ =	sdelay $0x4  }
0x17f: {  	(v2sf) =	vpush @!p0 v1, $0x0;
	_ =	sdelay $0xe  }
.Ltmp22:
0x180: {  	s8 =	spop @!p0 (v2sf);
	(pc) =	sbr.rel @p1 .LBB2_27-.Ltmp22, $4  }
0x181: {  	p2 =	seq.s32 @!p0 s4, s8  }
0x182: {  	p2 =	por !p2, p0  }
0x183: {  	s6 =	simm.s32 @p2 $0xFFFFFFFF  }
0x184: {  	s6 =	smov.u32 @p0 s0  }
.LBB2_28:
0x185: {  	p0 =	seq.s32 s6, $0xFFFFFFFF  }
.Ltmp23:
0x186: {  	_ = 	snop;
	(pc) =	sbr.rel @p0 .LBB2_30-.Ltmp23, $1  }
0x187: {  	_ =	sdelay $0x3  }
0x188: {  	s0 =	sshll.u32 s3, $0x7  }
0x189: {  	s0 =	sand.u32 $0x3FFFFF80, s0  }
0x18a: {  	v0 =	vld [tilespmem:s0+$0xF238];
	_ =	sdelay $0x2  }
0x18b: {  	s4 =	sshll.u32 s6, $0x9  }
0x18c: {  	s4 =	sshra.s32 s4, $0x2  }
0x18d: {  	[tilespmem:s4+$0xF238] =	vst.add.f32.msk $0xffff, v0  }
0x18e: {  	v0 =	vld [tilespmem:s0+$0xF248];
	_ =	sdelay $0x4  }
0x18f: {  	[tilespmem:s4+$0xF248] =	vst.add.f32.msk $0xffff, v0  }
0x190: {  	v0 =	vld [tilespmem:s0+$0xF258];
	_ =	sdelay $0x4  }
0x191: {  	[tilespmem:s4+$0xF258] =	vst.add.f32.msk $0xffff, v0  }
0x192: {  	v0 =	vld [tilespmem:s0+$0xF268];
	_ =	sdelay $0x4  }
0x193: {  	[tilespmem:s4+$0xF268] =	vst.add.f32.msk $0xffff, v0  }
0x194: {  	v0 =	vld [tilespmem:s0+$0xF278];
	_ =	sdelay $0x4  }
0x195: {  	[tilespmem:s4+$0xF278] =	vst.add.f32.msk $0xffff, v0  }
0x196: {  	v0 =	vld [tilespmem:s0+$0xF288];
	_ =	sdelay $0x4  }
0x197: {  	[tilespmem:s4+$0xF288] =	vst.add.f32.msk $0xffff, v0  }
0x198: {  	v0 =	vld [tilespmem:s0+$0xF298];
	_ =	sdelay $0x4  }
0x199: {  	[tilespmem:s4+$0xF298] =	vst.add.f32.msk $0xffff, v0  }
0x19a: {  	v0 =	vld [tilespmem:s0+$0xF2A8]  }
.Ltmp24:
0x19b: {  	_ = 	snop;
	(pc) =	sbr.rel .LBB2_31-.Ltmp24, $2  }
0x19c: {  	_ =	sdelay $0x2  }
0x19d: {  	[tilespmem:s4+$0xF2A8] =	vst.add.f32.msk $0xffff, v0  }
.LBB2_32:
0x19e: {  	p0 =	slt.s32 s2, $0x1  }
.Ltmp25:
0x19f: {  	_ = 	snop;
	(pc) =	sbr.rel @p0 .LBB2_36-.Ltmp25, $3  }
0x1a0: {  	_ =	sdelay $0x1  }
0x1a1: {  	s0 =	simm.s32 $0x6  }
0x1a2: {  	s3 =	simm.s32 $0x0;
	[sflag:s0] =	ssyncpa.u1 $0x1  }
0x1a3: {  	s0 =	simm.s32 $0xF218  }
0x1a4: {  	v0 =	vld.msk [tilespmem:s0+$0x0], $0x1;
	_ =	sdelay $0x4  }
0x1a5: {  	(v2sf) =	vpush v0, $0x0;
	_ =	sdelay $0xd  }
0x1a6: {  	s2 =	sadd.s32 $0xFFFFFFFF, s2  }
0x1a7: {  	p1 =	sne.s32 s2, $0x0;
	s0 =	spop (v2sf)  }
.Ltmp26:
0x1a8: {  	p0 =	sgt.u32 s0, $0xC34F0;
	(pc) =	sbr.rel @!p1 .LBB2_35-.Ltmp26, $4  }
0x1a9: {  	s4 =	simm.s32 $0xF238;
	s5 =	sand.u32 @!p0 $0xFFFF8, s0  }
0x1aa: {  	s6 =	simm.s32 $0x0;
	s0 =	sand.u32 @!p0 $0x7, s0;
	s5 =	sadd.s32 @!p0 s1, s5  }
0x1ab: {  	[hbm4b:s5+s0] =	stream.linear.scatter @!p0 [tilespmem:s4], [sflag:$0x5], $0x80, $0x38;
	[tilespmem:$0x1F6E8] =	vst v63  }
0x1ac: {  	s6 =	simm.s32 @!p0 $0x200;
	s5 =	simm.s32 $0xF219  }
.LBB2_34:
0x1ad: {  	v0 =	vld.msk [tilespmem:s5+$0x0], $0x1;
	s2 =	sadd.s32 $0xFFFFFFFF, s2;
	s3 =	sadd.s32 s3, s6  }
0x1ae: {  	p0 =	sne.s32 s2, $0x0;
	_ =	sdelay $0x3  }
0x1af: {  	(v2sf) =	vpush v0, $0x0;
	_ =	sdelay $0xe  }
.Ltmp27:
0x1b0: {  	s0 =	spop (v2sf);
	(pc) =	sbr.rel @p0 .LBB2_34-.Ltmp27, $4  }
0x1b1: {  	s6 =	simm.s32 $0x0;
	p1 =	sgt.u32 s0, $0xC34F0  }
0x1b2: {  	s4 =	sadd.s32 $0x80, s4;
	s6 =	simm.s32 @!p1 $0x200;
	s7 =	sand.u32 @!p1 $0xFFFF8, s0  }
0x1b3: {  	s5 =	sadd.s32 $0x1, s5;
	s0 =	sand.u32 @!p1 $0x7, s0;
	s7 =	sadd.s32 @!p1 s1, s7  }
0x1b4: {  	[hbm4b:s7+s0] =	stream.linear.scatter @!p1 [tilespmem:s4], [sflag:$0x5], $0x80, $0x38;
	[tilespmem:$0x1F6E8] =	vst v63  }
.LBB2_35:
0x1b5: {  	s0 =	sadd.s32 s3, s6  }
0x1b6: {  	s3 =	sshrl.u32 s0, $0x2  }
.LBB2_36:
0x1b7: {  	s0 =	simm.s32 $0x5  }
0x1b8: {  	_ =	swait.ge [sflag:s0], s3  }
0x1b9: {  	s1 =	ssub.s32 $0x0, s3;
	[sflag:s0] =	ssyncset.done $0x0  }
0x1ba: {  	[sflag:s0] =	ssyncadd.s32 s1  }
0x1bb: {  	[sflag:s0] =	ssyncpa.u1 $0x1  }
0x1bc: {  	s30 =	simm.s32 $0x1;
	_ =	sfence  }
0x1bd: {  	[sflag:s30] =	ssyncpa.u1 $0x1  }
0x1be: {  	_ =	strace $0x9000004A  }
0x1bf: {  	[bflag:$0x2] =	sbarrier.arrive $0xFFFF  }
0x1c0: {  	s31 =	rddreg [dreg:$0x2]  }
0x1c1: {  	s0 =	sadd.s32 $0x100000, s31  }
0x1c2: {  	[sflag:s0] =	ssyncadd.tile.s32 $0x1;
	_ =	shalt  }
.Lfunc_end2:
_tile_overlayer_lowered:
.L_overlay_start_2:
0x1c3: {  	(tag) =	ssettag $0x2  }
0x1c4: {  	s0 =	rddreg [dreg:$0x0];
	s2 =	stileid.u32  }
0x1c5: {  	s1 =	rddreg [dreg:$0x1];
	p0 =	sne.s32 s2, $0x0  }
0x1c6: {  	s3 =	rddreg [dreg:$0x2];
	[bflag:$0x3] =	sbarrier.arrive $0xFFFF;
	s2 =	simm.s32 @!p0 $0x1C01  }
0x1c7: {  	[timem:s3], [sflag:s2] =	dma.local @!p0 [hbm:s0], s1  }
0x1c8: {  	s0 =	simm.s32 @!p0 $0x1  }
0x1c9: {  	_ =	swait.ge @!p0 [sflag:s0], s1  }
0x1ca: {  	s1 =	ssub.s32 @!p0 $0x0, s1;
	[sflag:s0] =	ssyncset.done @!p0 $0x0  }
0x1cb: {  	[sflag:s0] =	ssyncadd.s32 @!p0 s1  }
0x1cc: {  	[bflag:$0x3] =	sbarrier.arrive $0xFFFF  }
0x1cd: {  	_ =	shalt  }

// kernel: scatter_offload_async_start
scs
__scs_entry_jumppad:
0x0: {  	(pc) =	sbr.rel $0x88, $3  }
0x1: {  	(tag) =	ssettag $0x0;
	lr =	simm.s32 $0x1  }
0x2: {  	[smem:$0x3F9A] =	sst lr;
	_ =	strace $0xD0000000  }
0x3: {  	_ = 	snop  }
0x4: {  	_ = 	snop  }
0x5: {  	_ = 	snop  }
0x6: {  	_ = 	snop  }
0x7: {  	_ = 	snop  }
__scs_overlays_trampoline_lowered:
0x8: {  	[smem:$0x3FA9] =	sst s0  }
0x9: {  	[smem:$0x3FAA] =	sst s1  }
0xa: {  	[smem:$0x3FAB] =	sst s2  }
0xb: {  	[smem:$0x3FAC] =	sst s3  }
0xc: {  	[smem:$0x3FAD] =	sst s4  }
0xd: {  	[smem:$0x3FAE] =	sst s5  }
0xe: {  	[smem:$0x3FAF] =	sst s6  }
0xf: {  	[smem:$0x3FB0] =	sst s7  }
0x10: {  	[smem:$0x3FB1] =	sst s8  }
0x11: {  	[smem:$0x3FB2] =	sst s9;
	s0 =	simm.s32 @!p0 $0x0  }
0x12: {  	s1 =	sld [smem:$0x3F98];
	s0 =	simm.s32 @p0 $0x1  }
0x13: {  	[smem:$0x3FB3] =	sst s0;
	s0 =	simm.s32 @!p1 $0x0  }
0x14: {  	s2 =	sld [smem:$0x3F97];
	s0 =	simm.s32 @p1 $0x1  }
0x15: {  	[smem:$0x3FB4] =	sst s0;
	s0 =	simm.s32 @!p2 $0x0  }
0x16: {  	s3 =	sld [smem:$0x3FDB];
	s0 =	simm.s32 @p2 $0x1  }
0x17: {  	s4 =	simm.s32 $0x1BF5;
	[smem:$0x3FB6] =	sst s0  }
0x18: {  	s0 =	sld [smem:$0x3F99];
	_ =	swait.ge [sflag:s4], $0x0  }
0x19: {  	s7 =	sld [smem:$0x3F9A]  }
0x1a: {  	s8 =	sadd.s32 $0xFFFFE003, lr  }
0x1b: {  	s9 =	sadd.s32 $0xFFFFFEF7, lr;
	s5 =	simm.s32 $0xFFFFFFFF;
	p2 =	slt.u32 s8, $0xFFFFF086  }
0x1c: {  	p1 =	slt.u32 s9, $0xF7A;
	s5 =	simm.s32 @!p2 $0x0  }
0x1d: {  	s5 =	simm.s32 @p1 $0x1;
	p0 =	seq.s32 s7, s2  }
0x1e: {  	s7 =	smul.u32 @!p0 $0xF7A, s2;
	p2 =	seq.s32 @!p0 s5, $0x0  }
0x1f: {  	s9 =	smul.u32 $0xF7A, s1;
	s8 =	simm.s32 @!p0 $0x1BF5;
	p2 =	por !p2, p0  }
0x20: {  	[sflag:s8] =	ssyncset.s32 @!p0 $0xFFFFF086;
	s6 =	sadd.s32 @!p0 s3, s7;
	s7 =	simm.s32 @!p0 $0x108  }
0x21: {  	s3 =	sadd.s32 s3, s9;
	s6 =	sadd.s32 @!p0 $0x88, s6;
	s7 =	simm.s32 @p2 $0x1082  }
0x22: {  	[simem:s7], [sflag:s8] =	dma.local @!p0 [hbm:s6], $0xF7A  }
0x23: {  	s9 =	sor.u32 $0xD0000000, s2;
	s6 =	simm.s32 $0x108;
	_ =	swait.ge @!p0 [sflag:s8], $0x0  }
0x24: {  	s3 =	sadd.s32 $0x88, s3;
	s6 =	simm.s32 @!p1 $0x1082;
	[sflag:s4] =	ssyncset.s32 $0xFFFFF086  }
0x25: {  	[simem:s6], [sflag:s4] =	dma.local [hbm:s3], $0xF7A  }
0x26: {  	[smem:$0x3F9A] =	sst s1;
	(tag) =	ssettag s2;
	_ =	strace s9  }
0x27: {  	s1 =	sld [smem:$0x3FAA]  }
0x28: {  	s2 =	sld [smem:$0x3FAB]  }
0x29: {  	s4 =	sld [smem:$0x3FAD]  }
0x2a: {  	p0 =	seq.s32 s5, $0x0;
	s5 =	sld [smem:$0x3FAE]  }
0x2b: {  	s6 =	sld [smem:$0x3FAF]  }
0x2c: {  	s7 =	sld [smem:$0x3FB0]  }
0x2d: {  	s3 =	simm.s32 $0x108;
	s8 =	sld [smem:$0x3FB1]  }
0x2e: {  	s3 =	simm.s32 @!p0 $0x1082;
	s9 =	sld [smem:$0x3FB2]  }
0x2f: {  	lr =	sadd.s32 s0, s3;
	s0 =	sld [smem:$0x3FA9]  }
0x30: {  	s3 =	sld [smem:$0x3FAC]  }
0x31: {  	[smem:$0x3FB5] =	sst s10  }
0x32: {  	s10 =	sld [smem:$0x3FB3];
	_ =	sdelay $0x3  }
0x33: {  	p0 =	seq.s32 s10, $0x1;
	s10 =	sld [smem:$0x3FB5];
	_ =	sdelay $0x3  }
0x34: {  	[smem:$0x3FB5] =	sst s10  }
0x35: {  	s10 =	sld [smem:$0x3FB4];
	_ =	sdelay $0x3  }
0x36: {  	p1 =	seq.s32 s10, $0x1;
	s10 =	sld [smem:$0x3FB5];
	_ =	sdelay $0x3  }
0x37: {  	[smem:$0x3FB5] =	sst s10  }
0x38: {  	s10 =	sld [smem:$0x3FB6]  }
0x39: {  	_ = 	snop;
	(pc) =	sbr.ind lr, $3  }
0x3a: {  	_ = 	snop  }
0x3b: {  	_ = 	snop  }
0x3c: {  	p2 =	seq.s32 s10, $0x1;
	s10 =	sld [smem:$0x3FB5]  }
0x3d: {  	_ =	shalt  }
0x3e: {  	_ =	shalt  }
0x3f: {  	_ =	shalt  }
0x40: {  	_ =	shalt  }
0x41: {  	_ =	shalt  }
0x42: {  	_ =	shalt  }
0x43: {  	_ =	shalt  }
0x44: {  	_ =	shalt  }
0x45: {  	_ =	shalt  }
0x46: {  	_ =	shalt  }
0x47: {  	_ =	shalt  }
0x48: {  	_ =	shalt  }
0x49: {  	_ =	shalt  }
0x4a: {  	_ =	shalt  }
0x4b: {  	_ =	shalt  }
0x4c: {  	_ =	shalt  }
0x4d: {  	_ =	shalt  }
0x4e: {  	_ =	shalt  }
0x4f: {  	_ =	shalt  }
0x50: {  	_ =	shalt  }
0x51: {  	_ =	shalt  }
0x52: {  	_ =	shalt  }
0x53: {  	_ =	shalt  }
0x54: {  	_ =	shalt  }
0x55: {  	_ =	shalt  }
0x56: {  	_ =	shalt  }
0x57: {  	_ =	shalt  }
0x58: {  	_ =	shalt  }
0x59: {  	_ =	shalt  }
0x5a: {  	_ =	shalt  }
0x5b: {  	_ =	shalt  }
0x5c: {  	_ =	shalt  }
0x5d: {  	_ =	shalt  }
0x5e: {  	_ =	shalt  }
0x5f: {  	_ =	shalt  }
0x60: {  	_ =	shalt  }
0x61: {  	_ =	shalt  }
0x62: {  	_ =	shalt  }
0x63: {  	_ =	shalt  }
0x64: {  	_ =	shalt  }
0x65: {  	_ =	shalt  }
0x66: {  	_ =	shalt  }
0x67: {  	_ =	shalt  }
0x68: {  	_ =	shalt  }
0x69: {  	_ =	shalt  }
0x6a: {  	_ =	shalt  }
0x6b: {  	_ =	shalt  }
0x6c: {  	_ =	shalt  }
0x6d: {  	_ =	shalt  }
0x6e: {  	_ =	shalt  }
0x6f: {  	_ =	shalt  }
0x70: {  	_ =	shalt  }
0x71: {  	_ =	shalt  }
0x72: {  	_ =	shalt  }
0x73: {  	_ =	shalt  }
0x74: {  	_ =	shalt  }
0x75: {  	_ =	shalt  }
0x76: {  	_ =	shalt  }
0x77: {  	_ =	shalt  }
0x78: {  	_ =	shalt  }
0x79: {  	_ =	shalt  }
0x7a: {  	_ =	shalt  }
0x7b: {  	_ =	shalt  }
0x7c: {  	_ =	shalt  }
0x7d: {  	_ =	shalt  }
0x7e: {  	_ =	shalt  }
0x7f: {  	_ =	shalt  }
0x80: {  	_ =	shalt  }
0x81: {  	_ =	shalt  }
0x82: {  	_ =	shalt  }
0x83: {  	_ =	shalt  }
0x84: {  	_ =	shalt  }
0x85: {  	_ =	shalt  }
0x86: {  	_ =	shalt  }
0x87: {  	_ =	shalt  }
.Lfunc_end0:
.L_simem_size_0:
called_computation_lowered:
.L_overlay_start_0:
0x88: {  	s0 =	sld [smem:$0x3FD9]  }
0x89: {  	s1 =	sld [smem:$0x3FFE];
	_ =	sdelay $0x3  }
0x8a: {  	s0 =	sadd.s32 s1, s0  }
0x8b: {  	[smem:$0x3FC1] =	sst s0  }
0x8c: {  	_ = 	snop  }
0x8d: {  	s0 =	sld [smem:$0x3FD0];
	(tm) =	ssettm $0x1  }
0x8e: {  	s16 =	sld [smem:$0x3FFB];
	_ =	sdelay $0x3  }
0x8f: {  	_ =	strace s16  }
0x90: {  	s1 =	sld [smem:$0x3FFC];
	_ =	sdelay $0x3  }
0x91: {  	_ =	strace s1  }
0x92: {  	s1 =	sld [smem:$0x3FFD];
	_ =	sdelay $0x3  }
0x93: {  	_ =	strace s1  }
0x94: {  	_ =	strace $0x8FFFFFFF  }
0x95: {  	s17 =	sld [smem:$0x3FDB];
	_ =	sdelay $0x1  }
0x96: {  	s2 =	simm.s32 $_scs_section_size  }
0x97: {  	s3 =	simm.s32 $_size__tile_overlayer_lowered;
	s4 =	simm.s32 $_tile_overlayer_lowered  }
0x98: {  	s20 =	simm.s32 $0x1BFF;
	s19 =	sshll.u32 s4, $0x1;
	s1 =	sadd.s32 s2, s17  }
0x99: {  	s5 =	simm.s32 $0x0;
	s18 =	sshll.u32 s3, $0x1;
	s3 =	sadd.s32 s19, s1  }
0x9a: {  	[timem:s5], [sflag:s20] =	dma.local [hbm:s3], s18  }
0x9b: {  	_ =	swait.ge [sflag:s20], s18  }
0x9c: {  	s2 =	ssub.s32 $0x0, s18;
	[sflag:s20] =	ssyncset.done $0x0  }
0x9d: {  	[sflag:s20] =	ssyncadd.s32 s2;
	_ =	sdelay $0x1  }
0x9e: {  	s21 =	simm.s32 $0x1B8B  }
0x9f: {  	_ =	swait.ge [sflag:s21], $0x1  }
0xa0: {  	[sflag:s21] =	ssyncset.done $0x0  }
0xa1: {  	s23 =	simm.s32 $0x1B8E;
	s22 =	sld [smem:$0x3FFE];
	[sflag:s21] =	ssyncadd.s32 $0xFFFFFFFF  }
0xa2: {  	s24 =	simm.s32 $execute0_lowered;
	[smem:$0x3FD2] =	sst s23  }
0xa3: {  	s3 =	sshll.u32 s24, $0x1;
	_ =	strace $0x80000046;
	[dreg:$0x1] =	wrdreg $0xFFFFFFFF  }
0xa4: {  	s25 =	simm.s32 $_size_execute0_lowered;
	s1 =	sadd.s32 s1, s3;
	[dreg:$0x0] =	wrdreg $0x0  }
0xa5: {  	s3 =	sshll.u32 s25, $0x1;
	[dreg:$0x2] =	wrdreg s1  }
0xa6: {  	[dreg:$0x3] =	wrdreg s3  }
0xa7: {  	[dreg:$0x4] =	wrdreg $0xC0  }
0xa8: {  	_ =	task [dreg:s5], $0x5FFFF  }
0xa9: {  	[dreg:$0x1] =	wrdreg $0xFFFFFFFF  }
0xaa: {  	[dreg:$0x0] =	wrdreg $0x60  }
0xab: {  	[dreg:$0x2] =	wrdreg s22  }
0xac: {  	[dreg:$0x3] =	wrdreg s0  }
0xad: {  	[dreg:$0x4] =	wrdreg $0x9  }
0xae: {  	_ =	task.clear_ibuf [dreg:s5], $0x5FFFF;
	_ =	strace $0x90000046  }
0xaf: {  	s26 =	simm.s32 $0x9;
	_ =	strace $0x80000048  }
0xb0: {  	_ =	swait.ge [sflag:s26], $0x1  }
0xb1: {  	[sflag:s26] =	ssyncadd.s32 $0xFFFFFFFF  }
0xb2: {  	_ =	strace $0x90000048  }
0xb3: {  	_ =	sfence  }
0xb4: {  	s28 =	sld [smem:$0x0];
	_ =	sdelay $0x1  }
0xb5: {  	s29 =	srdreg.scid  }
0xb6: {  	s30 =	sshll.u32 s29, $0xD;
	s31 =	sshrl.u32 s29, $0x2  }
0xb7: {  	s2 =	sand.u32 $0x4000, s30;
	s1 =	sand.u32 $0x1, s29;
	s0 =	sadd.s32 s31, s28  }
0xb8: {  	s1 =	sor.u32 s2, s1;
	s0 =	sshll.u32 s0, $0x11  }
0xb9: {  	s0 =	sor.u32 s0, s1  }
0xba: {  	s0 =	sadd.s32 $0x8F2B, s0  }
0xbb: {  	[sflag:s0] =	ssyncadd.remote.s32 $0x1  }
0xbc: {  	_ =	sfence.sel $0xFFFF  }
0xbd: {  	[dreg:$0x0] =	wrdreg $0xFFFFFFFF;
	(pc) =	sbr.abs _section_cstart, $3  }
0xbe: {  	[dreg:$0x1] =	wrdreg $0xFFFFFFFF  }
0xbf: {  	_ =	task.clear_ibuf [dreg:s5], $0x2FFFF;
	_ =	strace $0x9FFFFFFF  }
0xc0: {  	(tm) =	ssettm $0x7FFFFFFF  }
0xc1: {  	_ =	shalt  }
tec
execute0_lowered:
.L_overlay_start_1:
0x0: {  	(tag) =	ssettag $0x1  }
0x1: {  	s0 =	rddreg [dreg:$0x0]  }
0x2: {  	s29 =	rddreg [dreg:$0x1];
	_ =	strace $0x80000047;
	s1 =	simm.s32 $0x1  }
0x3: {  	s8 =	simm.s32 $0x108;
	v0 =	vimm.s32 $0x0;
	[sflag:s1] =	ssyncpa.u1 $0x0  }
0x4: {  	[tilespmem:s8+$0x70] =	vst v0  }
0x5: {  	[tilespmem:s8+$0x60] =	vst v0  }
0x6: {  	[tilespmem:s8+$0x50] =	vst v0  }
0x7: {  	[tilespmem:s8+$0x40] =	vst v0  }
0x8: {  	[tilespmem:s8+$0x30] =	vst v0  }
0x9: {  	s1 =	sadd.s32 $0x1059E00, s0;
	[tilespmem:s8+$0x20] =	vst v0  }
0xa: {  	s2 =	simm.s32 $0x40;
	s4 =	sadd.s32 $0x21E00, s0;
	s5 =	sadd.s32 $0x1039A00, s0;
	[tilespmem:s8+$0x10] =	vst v0  }
.LBB2_1:
0xb: {  	s2 =	sadd.s32 $0x40, s2;
	[tilespmem:s8+$0x0] =	vst v0;
	s8 =	sadd.s32 $0x80, s8  }
0xc: {  	p0 =	slt.u32 s2, $0x3C40;
	[tilespmem:s8+$0x70] =	vst v0  }
0xd: {  	[tilespmem:s8+$0x60] =	vst v0  }
.Ltmp0:
0xe: {  	[tilespmem:s8+$0x50] =	vst v0;
	(pc) =	sbr.rel @p0 .LBB2_1-.Ltmp0, $4  }
0xf: {  	[tilespmem:s8+$0x40] =	vst v0  }
0x10: {  	[tilespmem:s8+$0x30] =	vst v0  }
0x11: {  	[tilespmem:s8+$0x20] =	vst v0  }
0x12: {  	[tilespmem:s8+$0x10] =	vst v0  }
0x13: {  	s3 =	stileid.u32  }
0x14: {  	s0 =	smul.u32 $0x112, s3  }
0x15: {  	s2 =	smin.u32 s3, $0xB  }
0x16: {  	s0 =	sadd.s32 s2, s0  }
0x17: {  	p0 =	slt.u32 s3, $0xB;
	s6 =	smul.u32 $0xF0, s0;
	s0 =	simm.s32 $0x101D0  }
0x18: {  	s0 =	simm.s32 @!p0 $0x100E0  }
0x19: {  	s0 =	sadd.s32 s0, s6  }
0x1a: {  	s7 =	smin.u32 s0, $0x1017AC  }
0x1b: {  	s0 =	ssub.s32 s7, s6  }
0x1c: {  	p0 =	sgt.s32 s0, $0x0  }
0x1d: {  	s0 =	simm.s32 @!p0 $0x0  }
0x1e: {  	s31 =	smulhi.u32 $0x88888889, s0  }
0x1f: {  	s30 =	simm.s32 $0x2;
	s9 =	simm.s32 $0x7;
	s10 =	simm.s32 $0x8  }
0x20: {  	s19 =	simm.s32 $0x0;
	s15 =	simm.s32 $0xA;
	s2 =	sshrl.u32 s31, $0x7  }
0x21: {  	s17 =	simm.s32 $0x0;
	s18 =	simm.s32 $0x0;
	s11 =	smul.u32 $0xF0, s2  }
.Ltmp1:
0x22: {  	[tilespmem:s8+$0x0] =	vst v0;
	v0 =	vimm.s32 $0xFFFFFFFF;
	[sflag:s30] =	ssyncpa.u1 $0x0;
	s13 =	sshll.u32 s3, $0x8;
	(pc) =	sbr.rel .LBB2_3-.Ltmp1, $4  }
0x23: {  	[tilespmem:$0xF208] =	vst v0;
	[sflag:s9] =	ssyncpa.u1 $0x0;
	p0 =	sne.s32 s0, s11;
	s0 =	simm.s32 $0x1  }
0x24: {  	[sflag:s10] =	ssyncpa.u1 $0x0;
	s10 =	simm.s32 $0x9;
	s0 =	simm.s32 @!p0 $0x0  }
0x25: {  	[sflag:s10] =	ssyncpa.u1 $0x0;
	s16 =	smov.u32 s6;
	s12 =	sadd.s32 s0, s2  }
0x26: {  	v0 =	vlaneseq.u32;
	s11 =	simm.s32 $0x1;
	p0 =	por $0x0, $0x0;
	s14 =	sadd.s32 $0x1, s12  }
.LBB2_18:
0x27: {  	s0 =	sshrl.u32 s28, $0x2  }
.LBB2_20:
0x28: {  	_ =	swait.ge [sflag:s15], s0  }
0x29: {  	s31 =	ssub.s32 $0x0, s0;
	v1 =	vmov s21;
	vm0 =	veq.s32 v0, $0x0;
	[sflag:s15] =	ssyncset.done $0x0  }
0x2a: {  	vm15 =	veq.s32 v0, $0x2;
	v1 =	vsel vm0, s26, v1;
	[sflag:s15] =	ssyncadd.s32 s31  }
0x2b: {  	v1 =	vsel vm15, s19, v1;
	[sflag:s15] =	ssyncpa.u1 $0x1  }
0x2c: {  	[tilespmem:$0xF208] =	vst v1  }
.LBB2_21:
0x2d: {  	s0 =	sadd.s32 $0xF0, s16  }
0x2e: {  	s2 =	smov.u32 s6;
	p1 =	slt.s32 s0, s7  }
0x2f: {  	s2 =	smov.u32 @p1 s0;
	p1 =	sne.s32 s18, s14  }
.Ltmp2:
0x30: {  	_ = 	snop;
	(pc) =	sbr.rel @!p1 .LBB2_22-.Ltmp2, $3  }
0x31: {  	_ =	sdelay $0x1  }
0x32: {  	s19 =	smov.u32 s17;
	s31 =	sadd.s32 $0x1, s18;
	s17 =	smov.u32 s16  }
0x33: {  	p0 =	por !p0, !p0;
	s18 =	smov.u32 s31;
	s16 =	smov.u32 s2  }
.LBB2_3:
0x34: {  	p1 =	sge.u32 s18, s12  }
0x35: {  	s0 =	smulhi.u32 @!p1 $0xAAAAAAAB, s18  }
0x36: {  	s2 =	smov.u32 s16;
	p2 =	sgt.s32 @!p1 s16, $0x1016BC  }
0x37: {  	s20 =	sshra.s32 @!p1 s16, $0x1F;
	p2 =	por !p2, p1;
	s0 =	sshrl.u32 @!p1 s0, $0x1  }
0x38: {  	s20 =	sand.u32 @!p1 s20, s16;
	s2 =	simm.s32 @p2 $0x1016BC;
	s0 =	smul.u32 @!p1 $0x3, s0  }
0x39: {  	s2 =	ssub.s32 @!p1 s2, s20  }
0x3a: {  	s2 =	sadd.s32 @!p1 $0xFFEFE944, s2;
	s0 =	ssub.s32 @!p1 s18, s0  }
0x3b: {  	s20 =	sshll.u32 @!p1 s2, $0x2;
	p2 =	sgt.s32 @!p1 s2, $0xEF;
	s0 =	smul.u32 @!p1 $0x3C0, s0  }
0x3c: {  	s21 =	sand.u32 @!p1 $0x7, s16;
	s2 =	ssub.s32 @!p1 $0x3C0, s20;
	p2 =	por !p2, p1  }
0x3d: {  	s20 =	sshrl.u32 @!p1 s16, $0x3;
	s2 =	sshrl.u32 @!p1 s2, $0x2;
	s0 =	sshrl.u32 @!p1 s0, $0x2  }
0x3e: {  	s20 =	sadd.s32 @!p1 s5, s20;
	s2 =	simm.s32 @!p2 $0x0;
	s0 =	sadd.s32 @!p1 $0x10238, s0  }
0x3f: {  	[tilespmem:s0], [sflag:$0x8] =	stream.linear.gather @!p1 [hbm4b:s20+s21], s2, $0x38;
	[tilespmem:$0x1F6E8] =	vst v63  }
0x40: {  	s0 =	sadd.s32 $0xFFFFFFFF, s18  }
0x41: {  	p1 =	sge.u32 s0, s12  }
0x42: {  	p2 =	sgt.s32 @!p1 s17, $0x1016BC  }
0x43: {  	s2 =	smov.u32 s17;
	s20 =	sshra.s32 @!p1 s17, $0x1F;
	p2 =	por !p2, p1  }
0x44: {  	s20 =	sand.u32 @!p1 s20, s17;
	s2 =	simm.s32 @p2 $0x1016BC  }
0x45: {  	s2 =	ssub.s32 @!p1 s2, s20  }
0x46: {  	s2 =	sadd.s32 @!p1 $0xFFEFE944, s2  }
0x47: {  	s21 =	sand.u32 @!p1 $0x1, s0;
	s20 =	sshll.u32 @!p1 s2, $0x2  }
0x48: {  	p2 =	sgt.s32 @!p1 s2, $0xEF;
	s2 =	ssub.s32 @!p1 $0x3C0, s20;
	s20 =	smulhi.u32 @!p1 $0xAAAAAAAB, s0  }
0x49: {  	s23 =	smul.u32 @!p1 $0x3C0, s21;
	p2 =	por !p2, p1;
	s2 =	sshrl.u32 @!p1 s2, $0x2  }
0x4a: {  	s22 =	simm.s32 @!p1 $0x8;
	s2 =	simm.s32 @!p2 $0x0;
	s20 =	sshrl.u32 @!p1 s20, $0x1  }
0x4b: {  	s23 =	sshrl.u32 @!p1 s23, $0x2;
	_ =	swait.ge @!p1 [sflag:s22], s2;
	s20 =	smul.u32 @!p1 $0x3, s20  }
0x4c: {  	s23 =	sor.u32 @!p1 $0x10508, s23;
	s24 =	ssub.s32 @!p1 $0x0, s2;
	[sflag:s22] =	ssyncset.done @!p1 $0x0  }
0x4d: {  	[sflag:s22] =	ssyncadd.s32 @!p1 s24;
	s22 =	sshrl.u32 @!p1 s17, $0x3;
	s0 =	ssub.s32 @!p1 s0, s20  }
0x4e: {  	s24 =	sand.u32 @!p1 $0x7, s17;
	s22 =	sadd.s32 @!p1 s29, s22;
	s0 =	smul.u32 @!p1 $0x3C0, s0  }
0x4f: {  	[tilespmem:s23], [sflag:$0x9] =	stream.linear.gather @!p1 [hbm4b:s22+s24], s2, $0x38;
	[tilespmem:$0x1F6E8] =	vst v63  }
0x50: {  	s20 =	ssub.s32 @!p1 $0x1017AC, s17;
	s2 =	smul.u32 @!p1 $0x1E000, s21  }
0x51: {  	p2 =	slt.s32 @!p1 s20, $0xF0  }
0x52: {  	p2 =	por !p2, p1;
	s0 =	sshrl.u32 @!p1 s0, $0x2;
	s2 =	sshrl.u32 @!p1 s2, $0x2  }
0x53: {  	s20 =	simm.s32 @p2 $0xF0;
	s0 =	sadd.s32 @!p1 $0x10238, s0;
	s2 =	sor.u32 @!p1 $0x106E8, s2  }
0x54: {  	[tilespmem:s2], [sflag:$0x7] =	stream.indirect.gather @!p1 [hbm4b:s4+s20], $0x80, s0, s20, $0xb8;
	[tilespmem:$0x1F6E8] =	vst v63  }
0x55: {  	p1 =	slt.u32 s18, $0x2  }
.Ltmp3:
0x56: {  	_ = 	snop;
	(pc) =	sbr.rel @p1 .LBB2_21-.Ltmp3, $1  }
0x57: {  	_ =	sdelay $0x3  }
0x58: {  	p1 =	sgt.s32 s19, $0x1016BC;
	s0 =	smov.u32 s19;
	s2 =	sshra.s32 s19, $0x1F  }
0x59: {  	s20 =	ssub.s32 $0x1017AC, s19;
	s0 =	simm.s32 @!p1 $0x1016BC  }
0x5a: {  	s2 =	sand.u32 s2, s19;
	p1 =	slt.s32 s20, $0xF0;
	s21 =	smov.u32 s20  }
0x5b: {  	s0 =	ssub.s32 s0, s2;
	s21 =	simm.s32 @!p1 $0xF0  }
0x5c: {  	s0 =	sadd.s32 $0xFFEFE944, s0;
	s26 =	sshll.u32 s21, $0x7  }
0x5d: {  	s28 =	sshll.u32 s0, $0x2;
	s2 =	sand.u32 $0x3FFFFF80, s26  }
0x5e: {  	p1 =	sgt.s32 s0, $0xEF;
	s30 =	ssub.s32 $0x3C0, s28;
	_ =	swait.ge [sflag:s9], s2  }
0x5f: {  	s2 =	ssub.s32 $0x0, s2;
	[sflag:s9] =	ssyncset.done $0x0;
	s0 =	sshrl.u32 s30, $0x2  }
0x60: {  	[sflag:s9] =	ssyncadd.s32 s2;
	s0 =	simm.s32 @p1 $0x0  }
0x61: {  	_ =	swait.ge [sflag:s10], s0  }
0x62: {  	s0 =	ssub.s32 $0x0, s0;
	[sflag:s10] =	ssyncset.done $0x0  }
0x63: {  	[sflag:s10] =	ssyncadd.s32 s0  }
0x64: {  	v1 =	vld [tilespmem:$0xF208];
	_ =	sdelay $0x4  }
0x65: {  	(v2sf) =	vpush v1, $0x0  }
0x66: {  	(v2sf) =	vpush v1, $0x1  }
0x67: {  	(v2sf) =	vpush v1, $0x2;
	_ =	sdelay $0x3  }
0x68: {  	s0 =	sadd.s32 $0xF0, s19  }
0x69: {  	p1 =	slt.s32 s7, s0  }
0x6a: {  	s0 =	smov.u32 @p1 s7;
	p1 =	sgt.s32 s20, $0x0  }
0x6b: {  	s23 =	ssub.s32 s0, s19;
	s20 =	simm.s32 @!p1 $0x0  }
0x6c: {  	p1 =	slt.s32 s20, s23  }
0x6d: {  	s23 =	smov.u32 @p1 s20  }
0x6e: {  	s22 =	simm.s32 $0x1;
	p1 =	slt.s32 s23, $0x1  }
.Ltmp4:
0x6f: {  	s22 =	simm.s32 @!p0 $0x0;
	(pc) =	sbr.rel @p1 .LBB2_8-.Ltmp4, $4  }
0x70: {  	s31 =	smul.u32 $0x3C0, s22  }
0x71: {  	s24 =	spop (v2sf)  }
0x72: {  	s0 =	sshrl.u32 s31, $0x2;
	s26 =	spop (v2sf)  }
0x73: {  	s20 =	sor.u32 $0x10508, s0;
	s19 =	spop (v2sf)  }
0x74: {  	s0 =	smin.u32 s23, $0x10  }
0x75: {  	v1 =	vmov s0  }
0x76: {  	p2 =	sgt.s32 s23, $0x10;
	vm1 =	vgt.u32 v1, v0  }
.Ltmp5:
0x77: {  	_ = 	snop;
	(pc) =	sbr.rel @!p2 .LBB2_7-.Ltmp5, $2  }
0x78: {  	_ =	sdelay $0x2  }
0x79: {  	s25 =	simm.s32 $0x10;
	s28 =	sadd.s32 $0xFFFFFFF0, s23;
	s21 =	smov.u32 s20;
	vm0 =	vmmov vm1  }
.LBB2_6:
0x7a: {  	s0 =	smin.u32 s28, $0x10;
	s25 =	sadd.s32 $0x10, s25;
	v1 =	vld.msk [tilespmem:s21+$0x0 ss:$0x1], vm1  }
0x7b: {  	v2 =	vmov s0;
	p2 =	slt.s32 s25, s23  }
0x7c: {  	vm1 =	vgt.u32 v2, v0  }
.Ltmp6:
0x7d: {  	(pc) =	sbr.rel @p2 .LBB2_6-.Ltmp6, $3  }
0x7e: {  	_ =	sdelay $0x1  }
0x7f: {  	v1 =	vshll.u32 v1, $0x4  }
0x80: {  	s28 =	sadd.s32 $0xFFFFFFF0, s28;
	[tilespmem:s21+$0x0] =	vst.msk vm0, v1;
	s21 =	sadd.s32 $0x10, s21;
	vm0 =	vmmov vm1  }
.LBB2_7:
0x81: {  	_ =	sdelay $0x4  }
0x82: {  	v1 =	vld.msk [tilespmem:s21+$0x0 ss:$0x1], vm1;
	_ =	sdelay $0x4  }
0x83: {  	v1 =	vshll.u32 v1, $0x4  }
0x84: {  	[tilespmem:s21+$0x0] =	vst.msk vm0, v1  }
.LBB2_8:
0x85: {  	s0 =	sand.u32 $0x1, s18  }
0x86: {  	s0 =	smul.u32 $0xF0, s0  }
0x87: {  	p2 =	sne.s32 s26, $0xFFFFFFFF  }
0x88: {  	v1 =	vld.msk @!p2 [tilespmem:s0+$0x10508], $0x1;
	_ =	sdelay $0x4  }
0x89: {  	(v2sf) =	vpush @!p2 v1, $0x0;
	_ =	sdelay $0xc  }
.Ltmp7:
0x8a: {  	_ = 	snop;
	(pc) =	sbr.rel @p1 .LBB2_19-.Ltmp7, $4  }
0x8b: {  	_ = 	snop  }
0x8c: {  	s25 =	spop @!p2 (v2sf)  }
0x8d: {  	s19 =	simm.s32 @!p2 $0x0;
	s21 =	smov.u32 s25  }
0x8e: {  	[sflag:s15] =	ssyncpa.u1 $0x0;
	s25 =	smov.u32 @p2 s24;
	s21 =	smov.u32 @p2 s26  }
0x8f: {  	v1 =	vld.msk [tilespmem:s20+$0x0], $0x1;
	_ =	sdelay $0x4  }
0x90: {  	(v2sf) =	vpush v1, $0x0;
	_ =	sdelay $0xe  }
0x91: {  	s8 =	smov.u32 s29;
	s0 =	smul.u32 $0x1E000, s22;
	s29 =	spop (v2sf)  }
0x92: {  	s23 =	ssub.s32 $0x0, s23;
	p1 =	seq.s32 s25, s29  }
0x93: {  	s26 =	sadd.s32 $0x1, s23;
	s0 =	sshrl.u32 s0, $0x2;
	p2 =	sgt.s32 @!p1 s25, $0x0  }
0x94: {  	s22 =	sor.u32 $0x10728, s0;
	s0 =	smov.u32 s25;
	p2 =	por !p2, p1  }
0x95: {  	s0 =	simm.s32 @p2 $0x0;
	p2 =	seq.s32 s26, $0x0  }
.Ltmp8:
0x96: {  	_ = 	snop;
	(pc) =	sbr.rel @p2 .LBB2_11-.Ltmp8, $4  }
0x97: {  	_ = 	snop  }
0x98: {  	s24 =	simm.s32 $0x0;
	s28 =	sadd.s32 $0x1, s20;
	s0 =	smin.u32 @!p1 s0, $0x80BD70  }
0x99: {  	s30 =	simm.s32 @!p1 $0x1;
	s31 =	simm.s32 @!p1 $0x7988;
	s2 =	sand.u32 @!p1 $0xFFFFF8, s0  }
0x9a: {  	s30 =	smov.u32 @p1 s24;
	s0 =	sand.u32 @!p1 $0x7, s0;
	s2 =	sadd.s32 @!p1 s1, s2  }
.LBB2_10:
0x9b: {  	s3 =	smov.u32 s30  }
0x9c: {  	[tilespmem:s31], [sflag:$0x2] =	stream.linear.gather @!p1 [hbm4b:s2+s0], $0x80, $0x38;
	[tilespmem:$0x1F6E8] =	vst v63  }
0x9d: {  	s26 =	sadd.s32 $0x1, s26;
	s0 =	smov.u32 s29;
	v1 =	vld.msk [tilespmem:s28+$0x0], $0x1  }
0x9e: {  	p2 =	seq.s32 s26, $0x0;
	_ =	sdelay $0x3  }
0x9f: {  	(v2sf) =	vpush v1, $0x0;
	_ =	sdelay $0xe  }
0xa0: {  	s29 =	spop (v2sf)  }
0xa1: {  	p1 =	seq.s32 s0, s29  }
0xa2: {  	p3 =	sgt.s32 @!p1 s0, $0x0;
	s2 =	sshll.u32 @!p1 s30, $0x9;
	s30 =	sadd.s32 @!p1 $0x1, s30  }
.Ltmp9:
0xa3: {  	p3 =	por !p3, p1;
	s2 =	sshra.s32 @!p1 s2, $0x2;
	(pc) =	sbr.rel @!p2 .LBB2_10-.Ltmp9, $4  }
0xa4: {  	s30 =	smov.u32 @p1 s3;
	s0 =	simm.s32 @p3 $0x0;
	s31 =	sadd.s32 @!p1 $0x7988, s2  }
0xa5: {  	s0 =	smin.u32 @!p1 s0, $0x80BD70  }
0xa6: {  	s2 =	sand.u32 @!p1 $0xFFFFF8, s0;
	s0 =	sand.u32 @!p1 $0x7, s0  }
0xa7: {  	s28 =	sadd.s32 $0x1, s28;
	s2 =	sadd.s32 @!p1 s1, s2  }
.LBB2_11:
0xa8: {  	[tilespmem:s31], [sflag:$0x2] =	stream.linear.gather @!p1 [hbm4b:s2+s0], $0x80, $0x38;
	[tilespmem:$0x1F6E8] =	vst v63  }
.Ltmp10:
0xa9: {  	s30 =	sshll.u32 s30, $0x7;
	(pc) =	sbr.rel .LBB2_12-.Ltmp10, $4  }
0xaa: {  	s31 =	simm.s32 $0x2;
	s0 =	sand.u32 $0x3FFFFF80, s30  }
0xab: {  	_ =	swait.ge [sflag:s31], s0  }
0xac: {  	s0 =	ssub.s32 $0x0, s0;
	[sflag:s31] =	ssyncset.done $0x0  }
0xad: {  	s28 =	simm.s32 $0x0;
	s29 =	smov.u32 s8;
	[sflag:s31] =	ssyncadd.s32 s0  }
.LBB2_13:
0xae: {  	v1 =	vld [tilespmem:s22+$0xFFFFFFC0];
	_ =	sdelay $0x3  }
0xaf: {  	s0 =	sshra.s32 s0, $0x2  }
0xb0: {  	[tilespmem:s0+$0x108] =	vst.add.f32.msk $0xffff, v1  }
0xb1: {  	v1 =	vld [tilespmem:s22+$0xFFFFFFD0];
	_ =	sdelay $0x4  }
0xb2: {  	[tilespmem:s0+$0x118] =	vst.add.f32.msk $0xffff, v1  }
0xb3: {  	v1 =	vld [tilespmem:s22+$0xFFFFFFE0];
	_ =	sdelay $0x4  }
0xb4: {  	[tilespmem:s0+$0x128] =	vst.add.f32.msk $0xffff, v1  }
0xb5: {  	v1 =	vld [tilespmem:s22+$0xFFFFFFF0];
	_ =	sdelay $0x4  }
0xb6: {  	[tilespmem:s0+$0x138] =	vst.add.f32.msk $0xffff, v1  }
0xb7: {  	v1 =	vld [tilespmem:s22+$0x0];
	_ =	sdelay $0x4  }
0xb8: {  	[tilespmem:s0+$0x148] =	vst.add.f32.msk $0xffff, v1  }
0xb9: {  	v1 =	vld [tilespmem:s22+$0x10];
	_ =	sdelay $0x4  }
0xba: {  	[tilespmem:s0+$0x158] =	vst.add.f32.msk $0xffff, v1  }
0xbb: {  	v1 =	vld [tilespmem:s22+$0x20];
	_ =	sdelay $0x4  }
0xbc: {  	[tilespmem:s0+$0x168] =	vst.add.f32.msk $0xffff, v1  }
0xbd: {  	v1 =	vld [tilespmem:s22+$0x30];
	_ =	sdelay $0x4  }
0xbe: {  	[tilespmem:s0+$0x178] =	vst.add.f32.msk $0xffff, v1  }
.LBB2_17:
0xbf: {  	s23 =	sadd.s32 $0x1, s23  }
0xc0: {  	p1 =	seq.s32 s23, $0x0  }
.Ltmp11:
0xc1: {  	_ = 	snop;
	(pc) =	sbr.rel @p1 .LBB2_18-.Ltmp11, $2  }
0xc2: {  	_ =	sdelay $0x2  }
0xc3: {  	s20 =	sadd.s32 $0x1, s20;
	s22 =	sadd.s32 $0x80, s22;
	s25 =	smov.u32 s26  }
.LBB2_12:
0xc4: {  	v1 =	vld.msk [tilespmem:s20+$0x0], $0x1;
	_ =	sdelay $0x4  }
0xc5: {  	(v2sf) =	vpush v1, $0x0;
	_ =	sdelay $0xe  }
0xc6: {  	s26 =	spop (v2sf)  }
0xc7: {  	p1 =	sne.s32 s25, s26  }
.Ltmp12:
0xc8: {  	_ = 	snop;
	(pc) =	sbr.rel @!p1 .LBB2_13-.Ltmp12, $2  }
0xc9: {  	_ =	sdelay $0x2  }
0xca: {  	s0 =	sshll.u32 s19, $0x9  }
0xcb: {  	p1 =	seq.s32 s25, s21  }
.Ltmp13:
0xcc: {  	_ = 	snop;
	(pc) =	sbr.rel @!p1 .LBB2_15-.Ltmp13, $1  }
0xcd: {  	_ =	sdelay $0x3  }
0xce: {  	s0 =	sshra.s32 s0, $0x2  }
.Ltmp14:
0xcf: {  	s0 =	sadd.s32 $0x108, s0;
	(pc) =	sbr.rel .LBB2_16-.Ltmp14, $4  }
0xd0: {  	[spmem:s13] =	stream.linear.scatter [tilespmem:s0], [sflag:$0x1], $0x80, $0x38;
	[tilespmem:$0x1F6E8] =	vst v63  }
0xd1: {  	_ =	swait.ge [sflag:s11], $0x80  }
0xd2: {  	[sflag:s11] =	ssyncset.done $0x0  }
0xd3: {  	[sflag:s11] =	ssyncadd.s32 $0xFFFFFF80  }
.LBB2_15:
0xd4: {  	s2 =	sshll.u32 s24, $0x9  }
0xd5: {  	s2 =	sshra.s32 s2, $0x2  }
0xd6: {  	v1 =	vld [tilespmem:s2+$0x7988];
	_ =	sdelay $0x3  }
0xd7: {  	s0 =	sshra.s32 s0, $0x2  }
0xd8: {  	[tilespmem:s0+$0x108] =	vst.add.f32.msk $0xffff, v1  }
0xd9: {  	v1 =	vld [tilespmem:s2+$0x7998];
	_ =	sdelay $0x4  }
0xda: {  	[tilespmem:s0+$0x118] =	vst.add.f32.msk $0xffff, v1  }
0xdb: {  	v1 =	vld [tilespmem:s2+$0x79A8];
	_ =	sdelay $0x4  }
0xdc: {  	[tilespmem:s0+$0x128] =	vst.add.f32.msk $0xffff, v1  }
0xdd: {  	v1 =	vld [tilespmem:s2+$0x79B8];
	_ =	sdelay $0x4  }
0xde: {  	[tilespmem:s0+$0x138] =	vst.add.f32.msk $0xffff, v1  }
0xdf: {  	v1 =	vld [tilespmem:s2+$0x79C8];
	_ =	sdelay $0x4  }
0xe0: {  	[tilespmem:s0+$0x148] =	vst.add.f32.msk $0xffff, v1  }
0xe1: {  	v1 =	vld [tilespmem:s2+$0x79D8];
	_ =	sdelay $0x4  }
0xe2: {  	[tilespmem:s0+$0x158] =	vst.add.f32.msk $0xffff, v1  }
0xe3: {  	v1 =	vld [tilespmem:s2+$0x79E8];
	_ =	sdelay $0x4  }
0xe4: {  	[tilespmem:s0+$0x168] =	vst.add.f32.msk $0xffff, v1  }
0xe5: {  	v1 =	vld [tilespmem:s2+$0x79F8];
	_ =	sdelay $0x2  }
0xe6: {  	p1 =	sgt.u32 s25, $0x80BD70  }
0xe7: {  	s2 =	sand.u32 @!p1 $0xFFFFF8, s25  }
0xe8: {  	s3 =	sadd.s32 $0x108, s0;
	[tilespmem:s0+$0x178] =	vst.add.f32.msk $0xffff, v1;
	s0 =	sadd.s32 @!p1 s1, s2;
	s2 =	sand.u32 @!p1 $0x7, s25  }
0xe9: {  	[hbm4b:s0+s2] =	stream.linear.scatter @!p1 [tilespmem:s3], [sflag:$0xA], $0x80, $0x38;
	[tilespmem:$0x1F6E8] =	vst v63  }
0xea: {  	s0 =	simm.s32 $0x0  }
0xeb: {  	s0 =	simm.s32 @!p1 $0x200  }
0xec: {  	s28 =	sadd.s32 s0, s28  }
.LBB2_16:
0xed: {  	s0 =	sadd.s32 $0x1, s19  }
0xee: {  	s2 =	smulhi.u32 $0x88888889, s0;
	_ =	sdelay $0x1  }
0xef: {  	v1 =	vld [tilespmem:s22+$0xFFFFFFC0];
	s2 =	sshrl.u32 s2, $0x7  }
0xf0: {  	s2 =	smul.u32 $0xF0, s2;
	_ =	sdelay $0x1  }
0xf1: {  	s19 =	ssub.s32 s0, s2  }
0xf2: {  	s0 =	sshll.u32 s19, $0x7  }
0xf3: {  	[tilespmem:s0+$0x108] =	vst v1  }
0xf4: {  	v1 =	vld [tilespmem:s22+$0xFFFFFFD0];
	_ =	sdelay $0x4  }
0xf5: {  	[tilespmem:s0+$0x118] =	vst v1  }
0xf6: {  	v1 =	vld [tilespmem:s22+$0xFFFFFFE0];
	_ =	sdelay $0x4  }
0xf7: {  	[tilespmem:s0+$0x128] =	vst v1  }
0xf8: {  	v1 =	vld [tilespmem:s22+$0xFFFFFFF0];
	_ =	sdelay $0x4  }
0xf9: {  	[tilespmem:s0+$0x138] =	vst v1  }
0xfa: {  	v1 =	vld [tilespmem:s22+$0x0];
	_ =	sdelay $0x4  }
0xfb: {  	[tilespmem:s0+$0x148] =	vst v1  }
0xfc: {  	v1 =	vld [tilespmem:s22+$0x10];
	_ =	sdelay $0x4  }
0xfd: {  	[tilespmem:s0+$0x158] =	vst v1  }
0xfe: {  	v1 =	vld [tilespmem:s22+$0x20];
	_ =	sdelay $0x4  }
0xff: {  	[tilespmem:s0+$0x168] =	vst v1  }
0x100: {  	v1 =	vld [tilespmem:s22+$0x30]  }
.Ltmp15:
0x101: {  	_ = 	snop;
	(pc) =	sbr.rel .LBB2_17-.Ltmp15, $2  }
0x102: {  	_ =	sdelay $0x2  }
0x103: {  	s24 =	sadd.s32 $0x1, s24;
	[tilespmem:s0+$0x178] =	vst v1  }
.LBB2_19:
.Ltmp16:
0x104: {  	(pc) =	sbr.rel .LBB2_20-.Ltmp16, $4  }
0x105: {  	_ = 	snop  }
0x106: {  	s0 =	simm.s32 $0x2  }
0x107: {  	_ =	swait.ge [sflag:s0], $0x0  }
0x108: {  	s26 =	smov.u32 s25;
	[sflag:s0] =	ssyncset.done $0x0;
	s0 =	simm.s32 $0x0  }
.LBB2_22:
0x109: {  	_ =	sfence.sel $0x180000  }
0x10a: {  	s0 =	simm.s32 $0x7;
	[bflag:$0x0] =	sbarrier.arrive $0xFFFF  }
0x10b: {  	s25 =	simm.s32 $0x8;
	[sflag:s0] =	ssyncpa.u1 $0x1  }
0x10c: {  	s26 =	simm.s32 $0x9;
	[sflag:s25] =	ssyncpa.u1 $0x1  }
0x10d: {  	s28 =	simm.s32 $0x2;
	[sflag:s26] =	ssyncpa.u1 $0x1  }
0x10e: {  	[sflag:s28] =	ssyncpa.u1 $0x1  }
0x10f: {  	v0 =	vld [tilespmem:$0xF208];
	_ =	sdelay $0x4  }
0x110: {  	(v2sf) =	vpush v0, $0x0  }
0x111: {  	(v2sf) =	vpush v0, $0x1;
	_ =	sdelay $0x1  }
0x112: {  	(v2sf) =	vpush v0, $0x2;
	_ =	sdelay $0xb  }
0x113: {  	s0 =	spop (v2sf)  }
0x114: {  	s2 =	spop (v2sf)  }
0x115: {  	s3 =	smov.u32 s0;
	p0 =	sne.s32 s0, s2  }
0x116: {  	s4 =	spop (v2sf);
	s3 =	simm.s32 @!p0 $0xFFFFFFFF  }
0x117: {  	v2 =	vimm.s32 $0x1;
	v3 =	vlaneseq.u32;
	p0 =	seq.s32 s4, $0xFFFFFFFF;
	v1 =	vmov s3  }
0x118: {  	s7 =	stileid.u32;
	v0 =	vperm.xlane v0, v2;
	p1 =	sne.s32 @!p0 s0, s2;
	v1 =	vperm.xlane v1, v3  }
0x119: {  	vm0 =	vcmask $0x3F04;
	s6 =	simm.s32 $0xF208;
	s0 =	simm.s32 @!p0 $0x1;
	p1 =	por !p1, p0  }
0x11a: {  	s3 =	sshll.u32 s7, $0x1;
	s2 =	sshll.u32 @!p0 s4, $0x9;
	s0 =	simm.s32 @p1 $0x0;
	v0 =	vsel vm0, v1, v0  }
0x11b: {  	s5 =	sor.u32 $0x1000, s3;
	s2 =	sshra.s32 @!p0 s2, $0x2;
	s0 =	sor.u32 @!p0 s0, s3;
	[tilespmem:$0xF208] =	vst v0  }
0x11c: {  	[spmem:s5] =	stream.linear.scatter [tilespmem:s6], [sflag:$0x1], $0x2, $0x38;
	[tilespmem:$0x1F6E8] =	vst v63  }
0x11d: {  	s2 =	sadd.s32 @!p0 $0x108, s2;
	s0 =	sshll.u32 @!p0 s0, $0x7  }
0x11e: {  	[spmem:s0] =	stream.linear.scatter @!p0 [tilespmem:s2], [sflag:$0x1], $0x80, $0x38;
	[tilespmem:$0x1F6E8] =	vst v63  }
0x11f: {  	s0 =	simm.s32 @!p0 $0x82  }
0x120: {  	s3 =	simm.s32 $0x1;
	s0 =	simm.s32 @p0 $0x2  }
0x121: {  	_ =	swait.ge [sflag:s3], s0  }
0x122: {  	s0 =	ssub.s32 $0x0, s0;
	[sflag:s3] =	ssyncset.done $0x0  }
0x123: {  	[sflag:s3] =	ssyncadd.s32 s0  }
0x124: {  	_ =	sfence.stream.spmem  }
0x125: {  	s29 =	simm.s32 $0x3;
	[bflag:$0x0] =	sbarrier.arrive $0xFFFF  }
0x126: {  	s30 =	simm.s32 $0x4;
	[sflag:s29] =	ssyncpa.u1 $0x1  }
0x127: {  	s31 =	simm.s32 $0x3C;
	[sflag:s30] =	ssyncpa.u1 $0x1  }
0x128: {  	p0 =	sne.s32 s7, $0x0;
	[sflag:s31] =	ssyncpa.u1 $0x1  }
0x129: {  	_ =	sfence @p0  }
0x12a: {  	[sflag:s3] =	ssyncpa.u1 @p0 $0x1  }
0x12b: {  	_ =	strace @p0 $0x90000047  }
0x12c: {  	[bflag:$0x2] =	sbarrier.arrive @p0 $0xFFFF  }
0x12d: {  	_ =	shalt @p0  }
.LBB2_23:
0x12e: {  	_ =	sfence.stream.spmem;
	s0 =	simm.s32 $0x5  }
0x12f: {  	s2 =	simm.s32 $0x1000;
	s3 =	simm.s32 $0xF218;
	[sflag:s0] =	ssyncpa.u1 $0x0  }
0x130: {  	[tilespmem:s3], [sflag:$0x5] =	stream.linear.gather [spmem:s2], $0x20, $0x38;
	[tilespmem:$0x1F6E8] =	vst v63  }
0x131: {  	s30 =	simm.s32 $0xF238;
	s2 =	simm.s32 $0x0  }
0x132: {  	[tilespmem:s30], [sflag:$0x5] =	stream.linear.gather [spmem:s2], $0x1000, $0x38;
	[tilespmem:$0x1F6E8] =	vst v63  }
.Ltmp17:
0x133: {  	_ = 	snop;
	(pc) =	sbr.rel .LBB2_24-.Ltmp17, $4  }
0x134: {  	_ =	swait.ge [sflag:s0], $0x1020  }
0x135: {  	[sflag:s0] =	ssyncset.done $0x0  }
0x136: {  	s31 =	simm.s32 $0x6;
	[sflag:s0] =	ssyncadd.s32 $0xFFFFEFE0  }
0x137: {  	s3 =	simm.s32 $0x0;
	[sflag:s31] =	ssyncpa.u1 $0x0  }
.LBB2_30:
0x138: {  	p0 =	slt.u32 s4, $0x80BD71  }
0x139: {  	s0 =	sand.u32 @p0 $0xFFFFF8, s4  }
0x13a: {  	s4 =	sand.u32 @p0 $0x7, s4;
	s5 =	simm.s32 @p0 $0xF188;
	s0 =	sadd.s32 @p0 s1, s0  }
0x13b: {  	[tilespmem:s5], [sflag:$0x6] =	stream.linear.gather @p0 [hbm4b:s0+s4], $0x80, $0x38;
	[tilespmem:$0x1F6E8] =	vst v63  }
0x13c: {  	s0 =	simm.s32 @p0 $0x6  }
0x13d: {  	_ =	swait.ge @p0 [sflag:s0], $0x80  }
0x13e: {  	[sflag:s0] =	ssyncset.done @p0 $0x0  }
0x13f: {  	[sflag:s0] =	ssyncadd.s32 @p0 $0xFFFFFF80  }
0x140: {  	v1 =	vld @p0 [tilespmem:$0xF188];
	_ =	sdelay $0x2  }
0x141: {  	s0 =	sshll.u32 @p0 s3, $0x9  }
0x142: {  	s4 =	sshrl.u32 @p0 s0, $0x2  }
0x143: {  	[tilespmem:s4+$0xF238] =	vst.add.f32.msk @p0 $0xffff, v1  }
0x144: {  	v1 =	vld @p0 [tilespmem:$0xF198];
	_ =	sdelay $0x4  }
0x145: {  	[tilespmem:s4+$0xF248] =	vst.add.f32.msk @p0 $0xffff, v1  }
0x146: {  	v1 =	vld @p0 [tilespmem:$0xF1A8];
	_ =	sdelay $0x4  }
0x147: {  	[tilespmem:s4+$0xF258] =	vst.add.f32.msk @p0 $0xffff, v1  }
0x148: {  	v1 =	vld @p0 [tilespmem:$0xF1B8];
	_ =	sdelay $0x4  }
0x149: {  	[tilespmem:s4+$0xF268] =	vst.add.f32.msk @p0 $0xffff, v1  }
0x14a: {  	v1 =	vld @p0 [tilespmem:$0xF1C8];
	_ =	sdelay $0x4  }
0x14b: {  	[tilespmem:s4+$0xF278] =	vst.add.f32.msk @p0 $0xffff, v1  }
0x14c: {  	v1 =	vld @p0 [tilespmem:$0xF1D8];
	_ =	sdelay $0x4  }
0x14d: {  	[tilespmem:s4+$0xF288] =	vst.add.f32.msk @p0 $0xffff, v1  }
0x14e: {  	v1 =	vld @p0 [tilespmem:$0xF1E8];
	_ =	sdelay $0x4  }
0x14f: {  	[tilespmem:s4+$0xF298] =	vst.add.f32.msk @p0 $0xffff, v1  }
0x150: {  	v1 =	vld @p0 [tilespmem:$0xF1F8];
	_ =	sdelay $0x3  }
0x151: {  	s5 =	sshll.u32 @!p0 s3, $0x9  }
0x152: {  	s5 =	smov.u32 @p0 s0;
	[tilespmem:s4+$0xF2A8] =	vst.add.f32.msk @p0 $0xffff, v1  }
0x153: {  	s0 =	sshrl.u32 s5, $0x2;
	[tilespmem:s2+$0xF218] =	vst.msk $0x1, v0  }
0x154: {  	v0 =	vld [tilespmem:s0+$0xF238];
	_ =	sdelay $0x2  }
0x155: {  	s31 =	sshll.u32 s2, $0x9  }
0x156: {  	s4 =	sshra.s32 s31, $0x2  }
0x157: {  	[tilespmem:s4+$0xF238] =	vst v0  }
0x158: {  	v0 =	vld [tilespmem:s0+$0xF248];
	_ =	sdelay $0x4  }
0x159: {  	[tilespmem:s4+$0xF248] =	vst v0  }
0x15a: {  	v0 =	vld [tilespmem:s0+$0xF258];
	_ =	sdelay $0x4  }
0x15b: {  	[tilespmem:s4+$0xF258] =	vst v0  }
0x15c: {  	v0 =	vld [tilespmem:s0+$0xF268];
	_ =	sdelay $0x4  }
0x15d: {  	[tilespmem:s4+$0xF268] =	vst v0  }
0x15e: {  	v0 =	vld [tilespmem:s0+$0xF278];
	_ =	sdelay $0x4  }
0x15f: {  	[tilespmem:s4+$0xF278] =	vst v0  }
0x160: {  	v0 =	vld [tilespmem:s0+$0xF288];
	_ =	sdelay $0x4  }
0x161: {  	[tilespmem:s4+$0xF288] =	vst v0  }
0x162: {  	v0 =	vld [tilespmem:s0+$0xF298];
	_ =	sdelay $0x4  }
0x163: {  	[tilespmem:s4+$0xF298] =	vst v0  }
0x164: {  	v0 =	vld [tilespmem:s0+$0xF2A8];
	_ =	sdelay $0x4  }
0x165: {  	s2 =	sadd.s32 $0x1, s2;
	[tilespmem:s4+$0xF2A8] =	vst v0  }
.LBB2_31:
0x166: {  	s3 =	sadd.s32 $0x1, s3  }
0x167: {  	p0 =	sne.s32 s3, $0x20  }
.Ltmp18:
0x168: {  	_ = 	snop;
	(pc) =	sbr.rel @!p0 .LBB2_32-.Ltmp18, $1  }
0x169: {  	_ =	sdelay $0x3  }
.LBB2_24:
0x16a: {  	v0 =	vld.msk [tilespmem:s3+$0xF218], $0x1;
	_ =	sdelay $0x4  }
0x16b: {  	(v2sf) =	vpush v0, $0x0;
	_ =	sdelay $0xe  }
0x16c: {  	s4 =	spop (v2sf)  }
0x16d: {  	p0 =	seq.s32 s4, $0xFFFFFFFF  }
.Ltmp19:
0x16e: {  	_ = 	snop;
	(pc) =	sbr.rel @p0 .LBB2_31-.Ltmp19, $1  }
0x16f: {  	_ =	sdelay $0x3  }
0x170: {  	p0 =	slt.s32 s2, $0x1  }
.Ltmp20:
0x171: {  	_ = 	snop;
	(pc) =	sbr.rel @p0 .LBB2_30-.Ltmp20, $1  }
0x172: {  	_ =	sdelay $0x3  }
0x173: {  	s5 =	simm.s32 $0xF218;
	p0 =	por $0x0, $0x0  }
0x174: {  	v1 =	vld.msk @!p0 [tilespmem:s5+$0x0], $0x1;
	_ =	sdelay $0x4  }
0x175: {  	(v2sf) =	vpush @!p0 v1, $0x0;
	_ =	sdelay $0xd  }
0x176: {  	p2 =	sne.s32 s2, $0x1  }
.Ltmp21:
0x177: {  	s0 =	spop @!p0 (v2sf);
	(pc) =	sbr.rel @!p2 .LBB2_28-.Ltmp21, $4  }
0x178: {  	p1 =	seq.s32 @!p0 s4, s0  }
0x179: {  	s6 =	simm.s32 $0x0;
	p1 =	por !p1, p0  }
0x17a: {  	s0 =	simm.s32 $0xFFFFFFFF;
	s6 =	simm.s32 @p1 $0xFFFFFFFF  }
0x17b: {  	s7 =	simm.s32 $0x1;
	s6 =	smov.u32 @p0 s0  }
.LBB2_27:
0x17c: {  	s0 =	smov.u32 s6;
	p0 =	sne.s32 s6, $0xFFFFFFFF  }
0x17d: {  	s5 =	sadd.s32 $0x1, s5;
	s6 =	smov.u32 s7;
	s7 =	sadd.s32 $0x1, s7  }
0x17e: {  	p1 =	sne.s32 s2, s7;
	v1 =	vld.msk @!p0 [tilespmem:s5+$0x0], $0x1;
	_ =	sdelay $0x4  }
0x17f: {  	(v2sf) =	vpush @!p0 v1, $0x0;
	_ =	sdelay $0xe  }
.Ltmp22:
0x180: {  	s8 =	spop @!p0 (v2sf);
	(pc) =	sbr.rel @p1 .LBB2_27-.Ltmp22, $4  }
0x181: {  	p2 =	seq.s32 @!p0 s4, s8  }
0x182: {  	p2 =	por !p2, p0  }
0x183: {  	s6 =	simm.s32 @p2 $0xFFFFFFFF  }
0x184: {  	s6 =	smov.u32 @p0 s0  }
.LBB2_28:
0x185: {  	p0 =	seq.s32 s6, $0xFFFFFFFF  }
.Ltmp23:
0x186: {  	_ = 	snop;
	(pc) =	sbr.rel @p0 .LBB2_30-.Ltmp23, $1  }
0x187: {  	_ =	sdelay $0x3  }
0x188: {  	s0 =	sshll.u32 s3, $0x7  }
0x189: {  	s0 =	sand.u32 $0x3FFFFF80, s0  }
0x18a: {  	v0 =	vld [tilespmem:s0+$0xF238];
	_ =	sdelay $0x2  }
0x18b: {  	s4 =	sshll.u32 s6, $0x9  }
0x18c: {  	s4 =	sshra.s32 s4, $0x2  }
0x18d: {  	[tilespmem:s4+$0xF238] =	vst.add.f32.msk $0xffff, v0  }
0x18e: {  	v0 =	vld [tilespmem:s0+$0xF248];
	_ =	sdelay $0x4  }
0x18f: {  	[tilespmem:s4+$0xF248] =	vst.add.f32.msk $0xffff, v0  }
0x190: {  	v0 =	vld [tilespmem:s0+$0xF258];
	_ =	sdelay $0x4  }
0x191: {  	[tilespmem:s4+$0xF258] =	vst.add.f32.msk $0xffff, v0  }
0x192: {  	v0 =	vld [tilespmem:s0+$0xF268];
	_ =	sdelay $0x4  }
0x193: {  	[tilespmem:s4+$0xF268] =	vst.add.f32.msk $0xffff, v0  }
0x194: {  	v0 =	vld [tilespmem:s0+$0xF278];
	_ =	sdelay $0x4  }
0x195: {  	[tilespmem:s4+$0xF278] =	vst.add.f32.msk $0xffff, v0  }
0x196: {  	v0 =	vld [tilespmem:s0+$0xF288];
	_ =	sdelay $0x4  }
0x197: {  	[tilespmem:s4+$0xF288] =	vst.add.f32.msk $0xffff, v0  }
0x198: {  	v0 =	vld [tilespmem:s0+$0xF298];
	_ =	sdelay $0x4  }
0x199: {  	[tilespmem:s4+$0xF298] =	vst.add.f32.msk $0xffff, v0  }
0x19a: {  	v0 =	vld [tilespmem:s0+$0xF2A8]  }
.Ltmp24:
0x19b: {  	_ = 	snop;
	(pc) =	sbr.rel .LBB2_31-.Ltmp24, $2  }
0x19c: {  	_ =	sdelay $0x2  }
0x19d: {  	[tilespmem:s4+$0xF2A8] =	vst.add.f32.msk $0xffff, v0  }
.LBB2_32:
0x19e: {  	p0 =	slt.s32 s2, $0x1  }
.Ltmp25:
0x19f: {  	_ = 	snop;
	(pc) =	sbr.rel @p0 .LBB2_36-.Ltmp25, $3  }
0x1a0: {  	_ =	sdelay $0x1  }
0x1a1: {  	s0 =	simm.s32 $0x6  }
0x1a2: {  	s3 =	simm.s32 $0x0;
	[sflag:s0] =	ssyncpa.u1 $0x1  }
0x1a3: {  	s0 =	simm.s32 $0xF218  }
0x1a4: {  	v0 =	vld.msk [tilespmem:s0+$0x0], $0x1;
	_ =	sdelay $0x4  }
0x1a5: {  	(v2sf) =	vpush v0, $0x0;
	_ =	sdelay $0xd  }
0x1a6: {  	s2 =	sadd.s32 $0xFFFFFFFF, s2  }
0x1a7: {  	p1 =	sne.s32 s2, $0x0;
	s0 =	spop (v2sf)  }
.Ltmp26:
0x1a8: {  	p0 =	sgt.u32 s0, $0x80BD70;
	(pc) =	sbr.rel @!p1 .LBB2_35-.Ltmp26, $4  }
0x1a9: {  	s4 =	simm.s32 $0xF238;
	s5 =	sand.u32 @!p0 $0xFFFFF8, s0  }
0x1aa: {  	s6 =	simm.s32 $0x0;
	s0 =	sand.u32 @!p0 $0x7, s0;
	s5 =	sadd.s32 @!p0 s1, s5  }
0x1ab: {  	[hbm4b:s5+s0] =	stream.linear.scatter @!p0 [tilespmem:s4], [sflag:$0x5], $0x80, $0x38;
	[tilespmem:$0x1F6E8] =	vst v63  }
0x1ac: {  	s6 =	simm.s32 @!p0 $0x200;
	s5 =	simm.s32 $0xF219  }
.LBB2_34:
0x1ad: {  	v0 =	vld.msk [tilespmem:s5+$0x0], $0x1;
	s2 =	sadd.s32 $0xFFFFFFFF, s2;
	s3 =	sadd.s32 s3, s6  }
0x1ae: {  	p0 =	sne.s32 s2, $0x0;
	_ =	sdelay $0x3  }
0x1af: {  	(v2sf) =	vpush v0, $0x0;
	_ =	sdelay $0xe  }
.Ltmp27:
0x1b0: {  	s0 =	spop (v2sf);
	(pc) =	sbr.rel @p0 .LBB2_34-.Ltmp27, $4  }
0x1b1: {  	s6 =	simm.s32 $0x0;
	p1 =	sgt.u32 s0, $0x80BD70  }
0x1b2: {  	s4 =	sadd.s32 $0x80, s4;
	s6 =	simm.s32 @!p1 $0x200;
	s7 =	sand.u32 @!p1 $0xFFFFF8, s0  }
0x1b3: {  	s5 =	sadd.s32 $0x1, s5;
	s0 =	sand.u32 @!p1 $0x7, s0;
	s7 =	sadd.s32 @!p1 s1, s7  }
0x1b4: {  	[hbm4b:s7+s0] =	stream.linear.scatter @!p1 [tilespmem:s4], [sflag:$0x5], $0x80, $0x38;
	[tilespmem:$0x1F6E8] =	vst v63  }
.LBB2_35:
0x1b5: {  	s0 =	sadd.s32 s3, s6  }
0x1b6: {  	s3 =	sshrl.u32 s0, $0x2  }
.LBB2_36:
0x1b7: {  	s0 =	simm.s32 $0x5  }
0x1b8: {  	_ =	swait.ge [sflag:s0], s3  }
0x1b9: {  	s1 =	ssub.s32 $0x0, s3;
	[sflag:s0] =	ssyncset.done $0x0  }
0x1ba: {  	[sflag:s0] =	ssyncadd.s32 s1  }
0x1bb: {  	[sflag:s0] =	ssyncpa.u1 $0x1  }
0x1bc: {  	s30 =	simm.s32 $0x1;
	_ =	sfence  }
0x1bd: {  	[sflag:s30] =	ssyncpa.u1 $0x1  }
0x1be: {  	_ =	strace $0x90000047  }
0x1bf: {  	[bflag:$0x2] =	sbarrier.arrive $0xFFFF  }
0x1c0: {  	s31 =	rddreg [dreg:$0x2]  }
0x1c1: {  	s0 =	sadd.s32 $0x100000, s31  }
0x1c2: {  	[sflag:s0] =	ssyncadd.tile.s32 $0x1;
	_ =	shalt  }
.Lfunc_end2:
_tile_overlayer_lowered:
.L_overlay_start_2:
0x1c3: {  	(tag) =	ssettag $0x2  }
0x1c4: {  	s0 =	rddreg [dreg:$0x0];
	s2 =	stileid.u32  }
0x1c5: {  	s1 =	rddreg [dreg:$0x1];
	p0 =	sne.s32 s2, $0x0  }
0x1c6: {  	s3 =	rddreg [dreg:$0x2];
	[bflag:$0x3] =	sbarrier.arrive $0xFFFF;
	s2 =	simm.s32 @!p0 $0x1C01  }
0x1c7: {  	[timem:s3], [sflag:s2] =	dma.local @!p0 [hbm:s0], s1  }
0x1c8: {  	s0 =	simm.s32 @!p0 $0x1  }
0x1c9: {  	_ =	swait.ge @!p0 [sflag:s0], s1  }
0x1ca: {  	s1 =	ssub.s32 @!p0 $0x0, s1;
	[sflag:s0] =	ssyncset.done @!p0 $0x0  }
0x1cb: {  	[sflag:s0] =	ssyncadd.s32 @!p0 s1  }
0x1cc: {  	[bflag:$0x3] =	sbarrier.arrive $0xFFFF  }
0x1cd: {  	_ =	shalt  }

</sc_bundles>
